<compile_context>
chip_gen: v7x
topology: tpu7x:2x2x1
jax: 0.10.2.dev20260603
libtpu: 0.0.44.dev20260713+nightly
codegen_flags: <defaults>
</compile_context>

<pallas_src>
import jax
import jax.numpy as jnp
from jax import lax
from jax.experimental import pallas as pl
from jax.experimental.pallas import tpu as pltpu
from jax.experimental.pallas import tpu_sc as plsc

L = 64
MAXNODE = 512
MAXFANOUT = 8
N0 = 2 * L * MAXNODE * MAXFANOUT
NNZ = 2097152

NC = 2
NS = 16
NW = NC * NS
EPT = NNZ // NW
CH = 4096
NCH = EPT // CH
ACC_T = N0 // NS

_params = pltpu.CompilerParams(needs_layout_passes=False)
_mesh = plsc.VectorSubcoreMesh(core_axis_name="c", subcore_axis_name="s")


def _make_sc_scatter(table_size: int, table_in_vmem: bool):
    tslice = table_size // NS

    def body(gidx_h, sidx_h, val_h, tbl_h, out_h,
             acc_s, tbl_r, gqa, sqa, vqa, gqb, sqb, vqb, pq,
             sema, semb, gsem, *maybe_wq):
        c = lax.axis_index("c")
        s = lax.axis_index("s")
        wid = c * NS + s
        bufs = ((gqa, sqa, vqa, sema), (gqb, sqb, vqb, semb))

        def vloop(n, f):
            def step(i, carry):
                f(pl.ds(i * 16, 16))
                return carry
            lax.fori_loop(0, n // 16, step, 0)

        def zf(sl):
            pq[sl] = jnp.zeros((16,), jnp.float32)
        vloop(CH, zf)
        for t in range(ACC_T // CH):
            pltpu.sync_copy(pq, acc_s.at[pl.ds(s * ACC_T + t * CH, CH)])
        if table_in_vmem:
            pltpu.sync_copy(tbl_h, tbl_r)
        else:
            pltpu.sync_copy(tbl_h.at[pl.ds(s * tslice, tslice)],
                            tbl_r.at[pl.ds(s * tslice, tslice)])
        plsc.subcore_barrier()

        def start_in(j, b):
            gq, sq, vq, sem = bufs[b]
            base = wid * EPT + j * CH
            pltpu.async_copy(gidx_h.at[pl.ds(base, CH)], gq, sem)
            pltpu.async_copy(sidx_h.at[pl.ds(base, CH)], sq, sem)
            pltpu.async_copy(val_h.at[pl.ds(base, CH)], vq, sem)

        def wait_in(b):
            gq, sq, vq, sem = bufs[b]
            pltpu.make_async_copy(gidx_h.at[pl.ds(0, CH)], gq, sem).wait()
            pltpu.make_async_copy(sidx_h.at[pl.ds(0, CH)], sq, sem).wait()
            pltpu.make_async_copy(val_h.at[pl.ds(0, CH)], vq, sem).wait()

        start_in(0, 0)

        if table_in_vmem:
            def work(b):
                gq, sq, vq, _ = bufs[b]

                def mf(sl):
                    w = plsc.load_gather(tbl_r, [gq[sl]])
                    pq[sl] = w * vq[sl]
                vloop(CH, mf)
                pltpu.sync_copy(pq, acc_s.at[sq], add=True)

            def pair(t, carry):
                j = 2 * t
                wait_in(0)
                start_in(j + 1, 1)
                work(0)
                wait_in(1)

                @pl.when(j + 2 < NCH)
                def _():
                    start_in(j + 2, 0)
                work(1)
                return carry
            lax.fori_loop(0, NCH // 2, pair, 0)
        else:
            wq, pq2, ssa, ssb = maybe_wq
            pqs = (pq, pq2)
            ssems = (ssa, ssb)

            def gp(b):
                gq, sq, vq, _ = bufs[b]
                pltpu.async_copy(tbl_r.at[gq], wq, gsem).wait()
                dst = pqs[b]

                def mf(sl):
                    dst[sl] = wq[sl] * vq[sl]
                vloop(CH, mf)

            def sc_start(b):
                pltpu.async_copy(pqs[b], acc_s.at[bufs[b][1]], ssems[b],
                                 add=True)

            def sc_wait(b):
                pltpu.make_async_copy(pqs[b], acc_s.at[bufs[b][1]],
                                      ssems[b]).wait()

            def pair(t, carry):
                j = 2 * t
                wait_in(0)

                @pl.when(t > 0)
                def _():
                    sc_wait(1)
                start_in(j + 1, 1)
                gp(0)
                sc_start(0)
                wait_in(1)
                gp(1)
                sc_wait(0)

                @pl.when(j + 2 < NCH)
                def _():
                    start_in(j + 2, 0)
                sc_start(1)
                return carry
            lax.fori_loop(0, NCH // 2, pair, 0)
            sc_wait(1)
        plsc.subcore_barrier()

        pltpu.sync_copy(acc_s.at[pl.ds(s * ACC_T, ACC_T)],
                        out_h.at[pl.ds(c * N0 + s * ACC_T, ACC_T)])

    tbl_scratch = (pltpu.VMEM((table_size,), jnp.float32) if table_in_vmem
                   else pltpu.VMEM_SHARED((table_size,), jnp.float32))
    scratch = [
        pltpu.VMEM_SHARED((N0,), jnp.float32),
        tbl_scratch,
        pltpu.VMEM((CH,), jnp.int32),
        pltpu.VMEM((CH,), jnp.int32),
        pltpu.VMEM((CH,), jnp.float32),
        pltpu.VMEM((CH,), jnp.int32),
        pltpu.VMEM((CH,), jnp.int32),
        pltpu.VMEM((CH,), jnp.float32),
        pltpu.VMEM((CH,), jnp.float32),
        pltpu.SemaphoreType.DMA,
        pltpu.SemaphoreType.DMA,
        pltpu.SemaphoreType.DMA,
    ]
    if not table_in_vmem:
        scratch.extend([pltpu.VMEM((CH,), jnp.float32),
                        pltpu.VMEM((CH,), jnp.float32),
                        pltpu.SemaphoreType.DMA,
                        pltpu.SemaphoreType.DMA])
    return pl.kernel(
        body,
        out_type=jax.ShapeDtypeStruct((NC * N0,), jnp.float32),
        mesh=_mesh,
        compiler_params=_params,
        scratch_types=scratch,
    )


def _group_sum_mat():
    l = lax.broadcasted_iota(jnp.int32, (128, 16), 0)
    g = lax.broadcasted_iota(jnp.int32, (128, 16), 1)
    return (l // 8 == g).astype(jnp.float32)


def _dense1_body(p0, p1, ld, o_ref, wl_ref):
    o = p0[...] + p1[...]
    o_ref[...] = o
    wl_ref[...] = jnp.dot(ld[...] * o, _group_sum_mat(),
                          preferred_element_type=jnp.float32)


def _dense2_body(q0, q1, o, wl, out_ref):
    lw = (q0[...] + q1[...]) * o[...]
    out_ref[...] = wl[...] + jnp.dot(lw, _group_sum_mat(),
                                     preferred_element_type=jnp.float32)


_R = N0 // 128
_BR = 512
_G = 8


def _dense1(p0, p1, ld):
    big = pl.BlockSpec((_BR, 128), lambda i: (i, 0))
    small = pl.BlockSpec((_BR, 16), lambda i: (i, 0))
    return pl.pallas_call(
        _dense1_body,
        grid=(_G,),
        in_specs=[big, big, big],
        out_specs=[big, small],
        out_shape=[jax.ShapeDtypeStruct((_R, 128), jnp.float32),
                   jax.ShapeDtypeStruct((_R, 16), jnp.float32)],
    )(p0, p1, ld)


def _dense2(q0, q1, o, wl):
    big = pl.BlockSpec((_BR, 128), lambda i: (i, 0))
    small = pl.BlockSpec((_BR, 16), lambda i: (i, 0))
    return pl.pallas_call(
        _dense2_body,
        grid=(_G,),
        in_specs=[big, big, big, small],
        out_specs=small,
        out_shape=jax.ShapeDtypeStruct((_R, 16), jnp.float32),
    )(q0, q1, o, wl)


@jax.jit
def kernel(weight, load, adj_indices, adj_values, wire_indices, wire_values):
    gidx = ((adj_indices[1] * L + adj_indices[2]) * MAXNODE
            + adj_indices[3]) * MAXFANOUT + adj_indices[4]
    wgidx = (wire_indices[1] * L + wire_indices[2]) * MAXNODE + wire_indices[3]

    sc1 = _make_sc_scatter(N0, table_in_vmem=False)
    p = sc1(gidx, adj_indices[0], adj_values, weight.reshape(-1))
    p = p.reshape(NC, _R, 128)
    o, wl = _dense1(p[0], p[1], load.reshape(_R, 128))

    sc2 = _make_sc_scatter(N0 // MAXFANOUT, table_in_vmem=True)
    q = sc2(wgidx, wire_indices[0], wire_values, wl.reshape(-1))
    q = q.reshape(NC, _R, 128)
    out = _dense2(q[0], q[1], o, wl)
    return out.reshape(2, L, MAXNODE)

# --- scband reference (transcript-rebuilt; emitter-appended) ---
"""Pipeline reference for scband-load-nodes-1322849927756 (READ-ONLY COPY).

The authoritative reference and input builder live on the scoring server;
editing this copy changes nothing except your own understanding.
"""

import jax, jax.numpy as jnp
import numpy as np

L = 64
MAXNODE = 512
MAXFANOUT = 8
N0 = 2 * L * MAXNODE * MAXFANOUT
NNZ_ADJ = 2097152
NNZ_WIRE = 2097152


def setup_inputs(seed: int = 0):
    key = jax.random.key(seed)
    ks = jax.random.split(key, 14)
    weight = jax.random.normal(ks[0], (2, L, MAXNODE, MAXFANOUT), dtype=jnp.float32)
    load = jax.random.normal(ks[1], (2, L, MAXNODE, MAXFANOUT), dtype=jnp.float32)
    adj_indices = jnp.stack([
        jax.random.randint(ks[2], (NNZ_ADJ,), 0, N0),
        jax.random.randint(ks[3], (NNZ_ADJ,), 0, 2),
        jax.random.randint(ks[4], (NNZ_ADJ,), 0, L),
        jax.random.randint(ks[5], (NNZ_ADJ,), 0, MAXNODE),
        jax.random.randint(ks[6], (NNZ_ADJ,), 0, MAXFANOUT),
    ])
    adj_values = jax.random.uniform(ks[7], (NNZ_ADJ,), dtype=jnp.float32)
    wire_indices = jnp.stack([
        jax.random.randint(ks[8], (NNZ_WIRE,), 0, N0),
        jax.random.randint(ks[9], (NNZ_WIRE,), 0, 2),
        jax.random.randint(ks[10], (NNZ_WIRE,), 0, L),
        jax.random.randint(ks[11], (NNZ_WIRE,), 0, MAXNODE),
    ])
    wire_values = jax.random.uniform(ks[12], (NNZ_WIRE,), dtype=jnp.float32)
    return {
        "weight": weight,
        "load": load,
        "adj_indices": adj_indices,
        "adj_values": adj_values,
        "wire_indices": wire_indices,
        "wire_values": wire_values,
    }


def reference(weight, load, adj_indices, adj_values, wire_indices, wire_values):
    # o = sparse(adj_idx, adj_vals * weight[idx1..4]).to_dense().sum(dims 1..4)
    w_g = weight[adj_indices[1], adj_indices[2], adj_indices[3], adj_indices[4]]
    o = jax.ops.segment_sum(adj_values * w_g, adj_indices[0], num_segments=N0)
    o = o.reshape(2, L, MAXNODE, MAXFANOUT)
    weightLoad = (load * o).sum(axis=-1)
    # LoadWire = sparse(wire_idx, wire_vals * weightLoad[idx1..3]).to_dense().sum(dims 1..3)
    wl_g = weightLoad[wire_indices[1], wire_indices[2], wire_indices[3]]
    lw = jax.ops.segment_sum(wire_values * wl_g, wire_indices[0], num_segments=N0)
    lw = lw.reshape(2, L, MAXNODE, MAXFANOUT)
    lw = (lw * o).sum(axis=-1)
    return weightLoad + lw

if __name__ == "__main__":
    import jax
    _d = setup_inputs()
    print(jax.jit(kernel)(*tuple(_d.values())))

</pallas_src>

<mosaic_0001>
#map = affine_map<(d0, d1) -> (0)>
module attributes {stable_mosaic.version = 14 : i64} {
  func.func @body(%arg0: i32, %arg1: i32, %arg2: memref<2097152xi32, #tpu.memory_space<hbm>>, %arg3: memref<2097152xi32, #tpu.memory_space<hbm>>, %arg4: memref<2097152xf32, #tpu.memory_space<hbm>>, %arg5: memref<524288xf32, #tpu.memory_space<hbm>>, %arg6: memref<1048576xf32, #tpu.memory_space<hbm>>, %arg7: memref<524288xf32, #tpu.memory_space<vmem_shared>>, %arg8: memref<524288xf32, #tpu.memory_space<vmem_shared>>, %arg9: memref<4096xi32, #tpu.memory_space<vmem>>, %arg10: memref<4096xi32, #tpu.memory_space<vmem>>, %arg11: memref<4096xf32, #tpu.memory_space<vmem>>, %arg12: memref<4096xi32, #tpu.memory_space<vmem>>, %arg13: memref<4096xi32, #tpu.memory_space<vmem>>, %arg14: memref<4096xf32, #tpu.memory_space<vmem>>, %arg15: memref<4096xf32, #tpu.memory_space<vmem>>, %arg16: memref<!tpu.dma_semaphore, #tpu.memory_space<semaphore_mem>>, %arg17: memref<!tpu.dma_semaphore, #tpu.memory_space<semaphore_mem>>, %arg18: memref<!tpu.dma_semaphore, #tpu.memory_space<semaphore_mem>>, %arg19: memref<4096xf32, #tpu.memory_space<vmem>>, %arg20: memref<4096xf32, #tpu.memory_space<vmem>>, %arg21: memref<!tpu.dma_semaphore, #tpu.memory_space<semaphore_mem>>, %arg22: memref<!tpu.dma_semaphore, #tpu.memory_space<semaphore_mem>>) attributes {dimension_semantics = [#tpu.dimension_semantics<core_parallel>, #tpu.dimension_semantics<subcore_parallel>], iteration_bounds = array<i64: 2, 16>, scalar_prefetch = 0 : i64, scratch_operands = 16 : i64, tpu.core_type = #tpu.core_type<sc_vector_subcore>, window_params = [{transform_indices = #map}, {transform_indices = #map}, {transform_indices = #map}, {transform_indices = #map}, {transform_indices = #map}]} {
    %mul3A = arith.constant 16 : i32
    %mul3A_0 = arith.muli %arg0, %mul3A : i32
    %add3A = arith.addi %mul3A_0, %arg1 : i32
    %scan3A = arith.constant 0 : i32
    %scan3A_1 = arith.constant 0 : i32
    %scan3A_2 = arith.constant 256 : i32
    %scan3A_3 = arith.addi %scan3A_1, %scan3A_2 : i32
    %scan3A_4 = arith.constant 1 : i32
    scf.for %scan3A_66 = %scan3A_1 to %scan3A_3 step %scan3A_4  : i32 {
      %mul3A_67 = arith.constant 16 : i32
      %mul3A_68 = arith.muli %scan3A_66, %mul3A_67 : i32
      %broadcast_in_dim3A = arith.constant 0.000000e+00 : f32
      %broadcast_in_dim3A_69 = vector.broadcast %broadcast_in_dim3A : f32 to vector<16xf32>
      %swap3A = arith.index_cast %mul3A_68 : i32 to index
      %swap3A_70 = tpu.vector_load %arg15[%swap3A] {strides = array<i32>} : memref<4096xf32, #tpu.memory_space<vmem>>, vector<16xf32>,
      tpu.vector_store %arg15[%swap3A], %broadcast_in_dim3A_69 {strides = array<i32>} : memref<4096xf32, #tpu.memory_space<vmem>>, vector<16xf32>,
    }
    %scan3A_5 = arith.constant 256 : i32
    %mul3A_6 = arith.constant 32768 : i32
    %mul3A_7 = arith.muli %arg1, %mul3A_6 : i32
    %add3A_8 = arith.constant 0 : i32
    %add3A_9 = arith.addi %mul3A_7, %add3A_8 : i32
    "tpu.region"() ({
      %run_scoped3A = tpu.sem_alloc : memref<!tpu.dma_semaphore, #tpu.memory_space<semaphore_mem>>
      %dma_start3A_66 = tpu.memref_slice %arg7[%add3A_9] : memref<524288xf32, #tpu.memory_space<vmem_shared>> -> memref<4096xf32, #tpu.memory_space<vmem_shared>>
      %dma_start3A_67 = tpu.memref_slice %arg7[%add3A_9] : memref<524288xf32, #tpu.memory_space<vmem_shared>> -> memref<4096xf32, #tpu.memory_space<vmem_shared>>
      tpu.enqueue_dma source(%arg15 : memref<4096xf32, #tpu.memory_space<vmem>>) target(%dma_start3A_67 : memref<4096xf32, #tpu.memory_space<vmem_shared>>) target_semaphore(%run_scoped3A : memref<!tpu.dma_semaphore, #tpu.memory_space<semaphore_mem>>)
      %dma_wait3A_68 = tpu.memref_slice %arg7[%add3A_9] : memref<524288xf32, #tpu.memory_space<vmem_shared>> -> memref<4096xf32, #tpu.memory_space<vmem_shared>>
      %dma_wait3A_69 = tpu.memref_slice %arg7[%add3A_9] : memref<524288xf32, #tpu.memory_space<vmem_shared>> -> memref<4096xf32, #tpu.memory_space<vmem_shared>>
      tpu.wait_dma2 semaphore(%run_scoped3A : memref<!tpu.dma_semaphore, #tpu.memory_space<semaphore_mem>>) src(%arg15 : memref<4096xf32, #tpu.memory_space<vmem>>) dst(%dma_wait3A_69 : memref<4096xf32, #tpu.memory_space<vmem_shared>>)
      tpu.yield
    }) : () -> ()
    %mul3A_10 = arith.constant 32768 : i32
    %mul3A_11 = arith.muli %arg1, %mul3A_10 : i32
    %add3A_12 = arith.constant 4096 : i32
    %add3A_13 = arith.addi %mul3A_11, %add3A_12 : i32
    "tpu.region"() ({
      %run_scoped3A = tpu.sem_alloc : memref<!tpu.dma_semaphore, #tpu.memory_space<semaphore_mem>>
      %dma_start3A_66 = tpu.memref_slice %arg7[%add3A_13] : memref<524288xf32, #tpu.memory_space<vmem_shared>> -> memref<4096xf32, #tpu.memory_space<vmem_shared>>
      %dma_start3A_67 = tpu.memref_slice %arg7[%add3A_13] : memref<524288xf32, #tpu.memory_space<vmem_shared>> -> memref<4096xf32, #tpu.memory_space<vmem_shared>>
      tpu.enqueue_dma source(%arg15 : memref<4096xf32, #tpu.memory_space<vmem>>) target(%dma_start3A_67 : memref<4096xf32, #tpu.memory_space<vmem_shared>>) target_semaphore(%run_scoped3A : memref<!tpu.dma_semaphore, #tpu.memory_space<semaphore_mem>>)
      %dma_wait3A_68 = tpu.memref_slice %arg7[%add3A_13] : memref<524288xf32, #tpu.memory_space<vmem_shared>> -> memref<4096xf32, #tpu.memory_space<vmem_shared>>
      %dma_wait3A_69 = tpu.memref_slice %arg7[%add3A_13] : memref<524288xf32, #tpu.memory_space<vmem_shared>> -> memref<4096xf32, #tpu.memory_space<vmem_shared>>
      tpu.wait_dma2 semaphore(%run_scoped3A : memref<!tpu.dma_semaphore, #tpu.memory_space<semaphore_mem>>) src(%arg15 : memref<4096xf32, #tpu.memory_space<vmem>>) dst(%dma_wait3A_69 : memref<4096xf32, #tpu.memory_space<vmem_shared>>)
      tpu.yield
    }) : () -> ()
    %mul3A_14 = arith.constant 32768 : i32
    %mul3A_15 = arith.muli %arg1, %mul3A_14 : i32
    %add3A_16 = arith.constant 8192 : i32
    %add3A_17 = arith.addi %mul3A_15, %add3A_16 : i32
    "tpu.region"() ({
      %run_scoped3A = tpu.sem_alloc : memref<!tpu.dma_semaphore, #tpu.memory_space<semaphore_mem>>
      %dma_start3A_66 = tpu.memref_slice %arg7[%add3A_17] : memref<524288xf32, #tpu.memory_space<vmem_shared>> -> memref<4096xf32, #tpu.memory_space<vmem_shared>>
      %dma_start3A_67 = tpu.memref_slice %arg7[%add3A_17] : memref<524288xf32, #tpu.memory_space<vmem_shared>> -> memref<4096xf32, #tpu.memory_space<vmem_shared>>
      tpu.enqueue_dma source(%arg15 : memref<4096xf32, #tpu.memory_space<vmem>>) target(%dma_start3A_67 : memref<4096xf32, #tpu.memory_space<vmem_shared>>) target_semaphore(%run_scoped3A : memref<!tpu.dma_semaphore, #tpu.memory_space<semaphore_mem>>)
      %dma_wait3A_68 = tpu.memref_slice %arg7[%add3A_17] : memref<524288xf32, #tpu.memory_space<vmem_shared>> -> memref<4096xf32, #tpu.memory_space<vmem_shared>>
      %dma_wait3A_69 = tpu.memref_slice %arg7[%add3A_17] : memref<524288xf32, #tpu.memory_space<vmem_shared>> -> memref<4096xf32, #tpu.memory_space<vmem_shared>>
      tpu.wait_dma2 semaphore(%run_scoped3A : memref<!tpu.dma_semaphore, #tpu.memory_space<semaphore_mem>>) src(%arg15 : memref<4096xf32, #tpu.memory_space<vmem>>) dst(%dma_wait3A_69 : memref<4096xf32, #tpu.memory_space<vmem_shared>>)
      tpu.yield
    }) : () -> ()
    %mul3A_18 = arith.constant 32768 : i32
    %mul3A_19 = arith.muli %arg1, %mul3A_18 : i32
    %add3A_20 = arith.constant 12288 : i32
    %add3A_21 = arith.addi %mul3A_19, %add3A_20 : i32
    "tpu.region"() ({
      %run_scoped3A = tpu.sem_alloc : memref<!tpu.dma_semaphore, #tpu.memory_space<semaphore_mem>>
      %dma_start3A_66 = tpu.memref_slice %arg7[%add3A_21] : memref<524288xf32, #tpu.memory_space<vmem_shared>> -> memref<4096xf32, #tpu.memory_space<vmem_shared>>
      %dma_start3A_67 = tpu.memref_slice %arg7[%add3A_21] : memref<524288xf32, #tpu.memory_space<vmem_shared>> -> memref<4096xf32, #tpu.memory_space<vmem_shared>>
      tpu.enqueue_dma source(%arg15 : memref<4096xf32, #tpu.memory_space<vmem>>) target(%dma_start3A_67 : memref<4096xf32, #tpu.memory_space<vmem_shared>>) target_semaphore(%run_scoped3A : memref<!tpu.dma_semaphore, #tpu.memory_space<semaphore_mem>>)
      %dma_wait3A_68 = tpu.memref_slice %arg7[%add3A_21] : memref<524288xf32, #tpu.memory_space<vmem_shared>> -> memref<4096xf32, #tpu.memory_space<vmem_shared>>
      %dma_wait3A_69 = tpu.memref_slice %arg7[%add3A_21] : memref<524288xf32, #tpu.memory_space<vmem_shared>> -> memref<4096xf32, #tpu.memory_space<vmem_shared>>
      tpu.wait_dma2 semaphore(%run_scoped3A : memref<!tpu.dma_semaphore, #tpu.memory_space<semaphore_mem>>) src(%arg15 : memref<4096xf32, #tpu.memory_space<vmem>>) dst(%dma_wait3A_69 : memref<4096xf32, #tpu.memory_space<vmem_shared>>)
      tpu.yield
    }) : () -> ()
    %mul3A_22 = arith.constant 32768 : i32
    %mul3A_23 = arith.muli %arg1, %mul3A_22 : i32
    %add3A_24 = arith.constant 16384 : i32
    %add3A_25 = arith.addi %mul3A_23, %add3A_24 : i32
    "tpu.region"() ({
      %run_scoped3A = tpu.sem_alloc : memref<!tpu.dma_semaphore, #tpu.memory_space<semaphore_mem>>
      %dma_start3A_66 = tpu.memref_slice %arg7[%add3A_25] : memref<524288xf32, #tpu.memory_space<vmem_shared>> -> memref<4096xf32, #tpu.memory_space<vmem_shared>>
      %dma_start3A_67 = tpu.memref_slice %arg7[%add3A_25] : memref<524288xf32, #tpu.memory_space<vmem_shared>> -> memref<4096xf32, #tpu.memory_space<vmem_shared>>
      tpu.enqueue_dma source(%arg15 : memref<4096xf32, #tpu.memory_space<vmem>>) target(%dma_start3A_67 : memref<4096xf32, #tpu.memory_space<vmem_shared>>) target_semaphore(%run_scoped3A : memref<!tpu.dma_semaphore, #tpu.memory_space<semaphore_mem>>)
      %dma_wait3A_68 = tpu.memref_slice %arg7[%add3A_25] : memref<524288xf32, #tpu.memory_space<vmem_shared>> -> memref<4096xf32, #tpu.memory_space<vmem_shared>>
      %dma_wait3A_69 = tpu.memref_slice %arg7[%add3A_25] : memref<524288xf32, #tpu.memory_space<vmem_shared>> -> memref<4096xf32, #tpu.memory_space<vmem_shared>>
      tpu.wait_dma2 semaphore(%run_scoped3A : memref<!tpu.dma_semaphore, #tpu.memory_space<semaphore_mem>>) src(%arg15 : memref<4096xf32, #tpu.memory_space<vmem>>) dst(%dma_wait3A_69 : memref<4096xf32, #tpu.memory_space<vmem_shared>>)
      tpu.yield
    }) : () -> ()
    %mul3A_26 = arith.constant 32768 : i32
    %mul3A_27 = arith.muli %arg1, %mul3A_26 : i32
    %add3A_28 = arith.constant 20480 : i32
    %add3A_29 = arith.addi %mul3A_27, %add3A_28 : i32
    "tpu.region"() ({
      %run_scoped3A = tpu.sem_alloc : memref<!tpu.dma_semaphore, #tpu.memory_space<semaphore_mem>>
      %dma_start3A_66 = tpu.memref_slice %arg7[%add3A_29] : memref<524288xf32, #tpu.memory_space<vmem_shared>> -> memref<4096xf32, #tpu.memory_space<vmem_shared>>
      %dma_start3A_67 = tpu.memref_slice %arg7[%add3A_29] : memref<524288xf32, #tpu.memory_space<vmem_shared>> -> memref<4096xf32, #tpu.memory_space<vmem_shared>>
      tpu.enqueue_dma source(%arg15 : memref<4096xf32, #tpu.memory_space<vmem>>) target(%dma_start3A_67 : memref<4096xf32, #tpu.memory_space<vmem_shared>>) target_semaphore(%run_scoped3A : memref<!tpu.dma_semaphore, #tpu.memory_space<semaphore_mem>>)
      %dma_wait3A_68 = tpu.memref_slice %arg7[%add3A_29] : memref<524288xf32, #tpu.memory_space<vmem_shared>> -> memref<4096xf32, #tpu.memory_space<vmem_shared>>
      %dma_wait3A_69 = tpu.memref_slice %arg7[%add3A_29] : memref<524288xf32, #tpu.memory_space<vmem_shared>> -> memref<4096xf32, #tpu.memory_space<vmem_shared>>
      tpu.wait_dma2 semaphore(%run_scoped3A : memref<!tpu.dma_semaphore, #tpu.memory_space<semaphore_mem>>) src(%arg15 : memref<4096xf32, #tpu.memory_space<vmem>>) dst(%dma_wait3A_69 : memref<4096xf32, #tpu.memory_space<vmem_shared>>)
      tpu.yield
    }) : () -> ()
    %mul3A_30 = arith.constant 32768 : i32
    %mul3A_31 = arith.muli %arg1, %mul3A_30 : i32
    %add3A_32 = arith.constant 24576 : i32
    %add3A_33 = arith.addi %mul3A_31, %add3A_32 : i32
    "tpu.region"() ({
      %run_scoped3A = tpu.sem_alloc : memref<!tpu.dma_semaphore, #tpu.memory_space<semaphore_mem>>
      %dma_start3A_66 = tpu.memref_slice %arg7[%add3A_33] : memref<524288xf32, #tpu.memory_space<vmem_shared>> -> memref<4096xf32, #tpu.memory_space<vmem_shared>>
      %dma_start3A_67 = tpu.memref_slice %arg7[%add3A_33] : memref<524288xf32, #tpu.memory_space<vmem_shared>> -> memref<4096xf32, #tpu.memory_space<vmem_shared>>
      tpu.enqueue_dma source(%arg15 : memref<4096xf32, #tpu.memory_space<vmem>>) target(%dma_start3A_67 : memref<4096xf32, #tpu.memory_space<vmem_shared>>) target_semaphore(%run_scoped3A : memref<!tpu.dma_semaphore, #tpu.memory_space<semaphore_mem>>)
      %dma_wait3A_68 = tpu.memref_slice %arg7[%add3A_33] : memref<524288xf32, #tpu.memory_space<vmem_shared>> -> memref<4096xf32, #tpu.memory_space<vmem_shared>>
      %dma_wait3A_69 = tpu.memref_slice %arg7[%add3A_33] : memref<524288xf32, #tpu.memory_space<vmem_shared>> -> memref<4096xf32, #tpu.memory_space<vmem_shared>>
      tpu.wait_dma2 semaphore(%run_scoped3A : memref<!tpu.dma_semaphore, #tpu.memory_space<semaphore_mem>>) src(%arg15 : memref<4096xf32, #tpu.memory_space<vmem>>) dst(%dma_wait3A_69 : memref<4096xf32, #tpu.memory_space<vmem_shared>>)
      tpu.yield
    }) : () -> ()
    %mul3A_34 = arith.constant 32768 : i32
    %mul3A_35 = arith.muli %arg1, %mul3A_34 : i32
    %add3A_36 = arith.constant 28672 : i32
    %add3A_37 = arith.addi %mul3A_35, %add3A_36 : i32
    "tpu.region"() ({
      %run_scoped3A = tpu.sem_alloc : memref<!tpu.dma_semaphore, #tpu.memory_space<semaphore_mem>>
      %dma_start3A_66 = tpu.memref_slice %arg7[%add3A_37] : memref<524288xf32, #tpu.memory_space<vmem_shared>> -> memref<4096xf32, #tpu.memory_space<vmem_shared>>
      %dma_start3A_67 = tpu.memref_slice %arg7[%add3A_37] : memref<524288xf32, #tpu.memory_space<vmem_shared>> -> memref<4096xf32, #tpu.memory_space<vmem_shared>>
      tpu.enqueue_dma source(%arg15 : memref<4096xf32, #tpu.memory_space<vmem>>) target(%dma_start3A_67 : memref<4096xf32, #tpu.memory_space<vmem_shared>>) target_semaphore(%run_scoped3A : memref<!tpu.dma_semaphore, #tpu.memory_space<semaphore_mem>>)
      %dma_wait3A_68 = tpu.memref_slice %arg7[%add3A_37] : memref<524288xf32, #tpu.memory_space<vmem_shared>> -> memref<4096xf32, #tpu.memory_space<vmem_shared>>
      %dma_wait3A_69 = tpu.memref_slice %arg7[%add3A_37] : memref<524288xf32, #tpu.memory_space<vmem_shared>> -> memref<4096xf32, #tpu.memory_space<vmem_shared>>
      tpu.wait_dma2 semaphore(%run_scoped3A : memref<!tpu.dma_semaphore, #tpu.memory_space<semaphore_mem>>) src(%arg15 : memref<4096xf32, #tpu.memory_space<vmem>>) dst(%dma_wait3A_69 : memref<4096xf32, #tpu.memory_space<vmem_shared>>)
      tpu.yield
    }) : () -> ()
    %mul3A_38 = arith.constant 32768 : i32
    %mul3A_39 = arith.muli %arg1, %mul3A_38 : i32
    %mul3A_40 = arith.constant 32768 : i32
    %mul3A_41 = arith.muli %arg1, %mul3A_40 : i32
    "tpu.region"() ({
      %run_scoped3A = tpu.sem_alloc : memref<!tpu.dma_semaphore, #tpu.memory_space<semaphore_mem>>
      %dma_start3A_66 = tpu.memref_slice %arg8[%mul3A_41] : memref<524288xf32, #tpu.memory_space<vmem_shared>> -> memref<32768xf32, #tpu.memory_space<vmem_shared>>
      %dma_start3A_67 = tpu.memref_slice %arg5[%mul3A_39] : memref<524288xf32, #tpu.memory_space<hbm>> -> memref<32768xf32, #tpu.memory_space<hbm>>
      tpu.enqueue_dma source(%dma_start3A_67 : memref<32768xf32, #tpu.memory_space<hbm>>) target(%dma_start3A_66 : memref<32768xf32, #tpu.memory_space<vmem_shared>>) target_semaphore(%run_scoped3A : memref<!tpu.dma_semaphore, #tpu.memory_space<semaphore_mem>>)
      %dma_wait3A_68 = tpu.memref_slice %arg8[%mul3A_41] : memref<524288xf32, #tpu.memory_space<vmem_shared>> -> memref<32768xf32, #tpu.memory_space<vmem_shared>>
      %dma_wait3A_69 = tpu.memref_slice %arg5[%mul3A_39] : memref<524288xf32, #tpu.memory_space<hbm>> -> memref<32768xf32, #tpu.memory_space<hbm>>
      tpu.wait_dma2 semaphore(%run_scoped3A : memref<!tpu.dma_semaphore, #tpu.memory_space<semaphore_mem>>) src(%dma_wait3A_69 : memref<32768xf32, #tpu.memory_space<hbm>>) dst(%dma_wait3A_68 : memref<32768xf32, #tpu.memory_space<vmem_shared>>)
      tpu.yield
    }) : () -> ()
    %barrier3A = arith.constant 0 : index
    tpu.barrier barrier_id(%barrier3A)
    %mul3A_42 = arith.constant 65536 : i32
    %mul3A_43 = arith.muli %add3A, %mul3A_42 : i32
    %add3A_44 = arith.constant 0 : i32
    %add3A_45 = arith.addi %mul3A_43, %add3A_44 : i32
    %dma_start3A = tpu.memref_slice %arg2[%add3A_45] : memref<2097152xi32, #tpu.memory_space<hbm>> -> memref<4096xi32, #tpu.memory_space<hbm>>
    %dma_start3A_46 = tpu.memref_slice %arg2[%add3A_45] : memref<2097152xi32, #tpu.memory_space<hbm>> -> memref<4096xi32, #tpu.memory_space<hbm>>
    tpu.enqueue_dma source(%dma_start3A_46 : memref<4096xi32, #tpu.memory_space<hbm>>) target(%arg9 : memref<4096xi32, #tpu.memory_space<vmem>>) target_semaphore(%arg16 : memref<!tpu.dma_semaphore, #tpu.memory_space<semaphore_mem>>)
    %dma_start3A_47 = tpu.memref_slice %arg3[%add3A_45] : memref<2097152xi32, #tpu.memory_space<hbm>> -> memref<4096xi32, #tpu.memory_space<hbm>>
    %dma_start3A_48 = tpu.memref_slice %arg3[%add3A_45] : memref<2097152xi32, #tpu.memory_space<hbm>> -> memref<4096xi32, #tpu.memory_space<hbm>>
    tpu.enqueue_dma source(%dma_start3A_48 : memref<4096xi32, #tpu.memory_space<hbm>>) target(%arg10 : memref<4096xi32, #tpu.memory_space<vmem>>) target_semaphore(%arg16 : memref<!tpu.dma_semaphore, #tpu.memory_space<semaphore_mem>>)
    %dma_start3A_49 = tpu.memref_slice %arg4[%add3A_45] : memref<2097152xf32, #tpu.memory_space<hbm>> -> memref<4096xf32, #tpu.memory_space<hbm>>
    %dma_start3A_50 = tpu.memref_slice %arg4[%add3A_45] : memref<2097152xf32, #tpu.memory_space<hbm>> -> memref<4096xf32, #tpu.memory_space<hbm>>
    tpu.enqueue_dma source(%dma_start3A_50 : memref<4096xf32, #tpu.memory_space<hbm>>) target(%arg11 : memref<4096xf32, #tpu.memory_space<vmem>>) target_semaphore(%arg16 : memref<!tpu.dma_semaphore, #tpu.memory_space<semaphore_mem>>)
    %scan3A_51 = arith.constant 0 : i32
    %scan3A_52 = arith.constant 0 : i32
    %scan3A_53 = arith.constant 8 : i32
    %scan3A_54 = arith.addi %scan3A_52, %scan3A_53 : i32
    %scan3A_55 = arith.constant 1 : i32
    scf.for %scan3A_66 = %scan3A_52 to %scan3A_54 step %scan3A_55  : i32 {
      %mul3A_67 = arith.constant 2 : i32
      %mul3A_68 = arith.muli %mul3A_67, %scan3A_66 : i32
      %dma_wait3A_69 = arith.constant 0 : i32
      %dma_wait3A_70 = tpu.memref_slice %arg2[%dma_wait3A_69] : memref<2097152xi32, #tpu.memory_space<hbm>> -> memref<4096xi32, #tpu.memory_space<hbm>>
      %dma_wait3A_71 = arith.constant 0 : i32
      %dma_wait3A_72 = tpu.memref_slice %arg2[%dma_wait3A_71] : memref<2097152xi32, #tpu.memory_space<hbm>> -> memref<4096xi32, #tpu.memory_space<hbm>>
      tpu.wait_dma2 semaphore(%arg16 : memref<!tpu.dma_semaphore, #tpu.memory_space<semaphore_mem>>) src(%dma_wait3A_72 : memref<4096xi32, #tpu.memory_space<hbm>>) dst(%arg9 : memref<4096xi32, #tpu.memory_space<vmem>>)
      %dma_wait3A_73 = arith.constant 0 : i32
      %dma_wait3A_74 = tpu.memref_slice %arg3[%dma_wait3A_73] : memref<2097152xi32, #tpu.memory_space<hbm>> -> memref<4096xi32, #tpu.memory_space<hbm>>
      %dma_wait3A_75 = arith.constant 0 : i32
      %dma_wait3A_76 = tpu.memref_slice %arg3[%dma_wait3A_75] : memref<2097152xi32, #tpu.memory_space<hbm>> -> memref<4096xi32, #tpu.memory_space<hbm>>
      tpu.wait_dma2 semaphore(%arg16 : memref<!tpu.dma_semaphore, #tpu.memory_space<semaphore_mem>>) src(%dma_wait3A_76 : memref<4096xi32, #tpu.memory_space<hbm>>) dst(%arg10 : memref<4096xi32, #tpu.memory_space<vmem>>)
      %dma_wait3A_77 = arith.constant 0 : i32
      %dma_wait3A_78 = tpu.memref_slice %arg4[%dma_wait3A_77] : memref<2097152xf32, #tpu.memory_space<hbm>> -> memref<4096xf32, #tpu.memory_space<hbm>>
      %dma_wait3A_79 = arith.constant 0 : i32
      %dma_wait3A_80 = tpu.memref_slice %arg4[%dma_wait3A_79] : memref<2097152xf32, #tpu.memory_space<hbm>> -> memref<4096xf32, #tpu.memory_space<hbm>>
      tpu.wait_dma2 semaphore(%arg16 : memref<!tpu.dma_semaphore, #tpu.memory_space<semaphore_mem>>) src(%dma_wait3A_80 : memref<4096xf32, #tpu.memory_space<hbm>>) dst(%arg11 : memref<4096xf32, #tpu.memory_space<vmem>>)
      %gt3A = arith.constant 0 : i32
      %gt3A_81 = arith.cmpi sgt, %scan3A_66, %gt3A : i32
      %convert_element_type3A = arith.extui %gt3A_81 : i1 to i32
      %cond3A = arith.constant 0 : i32
      %cond3A_82 = arith.cmpi ne, %convert_element_type3A, %cond3A : i32
      scf.if %cond3A_82 {
        %dma_wait3A_140 = arith.constant 0 : i32
        %dma_wait3A_141 = tpu.memref_slice %arg7[%dma_wait3A_140] : memref<524288xf32, #tpu.memory_space<vmem_shared>> -> memref<524288xf32, #tpu.memory_space<vmem_shared>>
        tpu.wait_indirect_dma semaphore(%arg22 : memref<!tpu.dma_semaphore, #tpu.memory_space<semaphore_mem>>) src(%arg20 : memref<4096xf32, #tpu.memory_space<vmem>>) dst(%dma_wait3A_141 : memref<524288xf32, #tpu.memory_space<vmem_shared>>)
      } else {
      }
      %add3A_83 = arith.constant 1 : i32
      %add3A_84 = arith.addi %mul3A_68, %add3A_83 : i32
      %mul3A_85 = arith.constant 65536 : i32
      %mul3A_86 = arith.muli %add3A, %mul3A_85 : i32
      %mul3A_87 = arith.constant 4096 : i32
      %mul3A_88 = arith.muli %add3A_84, %mul3A_87 : i32
      %add3A_89 = arith.addi %mul3A_86, %mul3A_88 : i32
      %dma_start3A_90 = tpu.memref_slice %arg2[%add3A_89] : memref<2097152xi32, #tpu.memory_space<hbm>> -> memref<4096xi32, #tpu.memory_space<hbm>>
      %dma_start3A_91 = tpu.memref_slice %arg2[%add3A_89] : memref<2097152xi32, #tpu.memory_space<hbm>> -> memref<4096xi32, #tpu.memory_space<hbm>>
      tpu.enqueue_dma source(%dma_start3A_91 : memref<4096xi32, #tpu.memory_space<hbm>>) target(%arg12 : memref<4096xi32, #tpu.memory_space<vmem>>) target_semaphore(%arg17 : memref<!tpu.dma_semaphore, #tpu.memory_space<semaphore_mem>>)
      %dma_start3A_92 = tpu.memref_slice %arg3[%add3A_89] : memref<2097152xi32, #tpu.memory_space<hbm>> -> memref<4096xi32, #tpu.memory_space<hbm>>
      %dma_start3A_93 = tpu.memref_slice %arg3[%add3A_89] : memref<2097152xi32, #tpu.memory_space<hbm>> -> memref<4096xi32, #tpu.memory_space<hbm>>
      tpu.enqueue_dma source(%dma_start3A_93 : memref<4096xi32, #tpu.memory_space<hbm>>) target(%arg13 : memref<4096xi32, #tpu.memory_space<vmem>>) target_semaphore(%arg17 : memref<!tpu.dma_semaphore, #tpu.memory_space<semaphore_mem>>)
      %dma_start3A_94 = tpu.memref_slice %arg4[%add3A_89] : memref<2097152xf32, #tpu.memory_space<hbm>> -> memref<4096xf32, #tpu.memory_space<hbm>>
      %dma_start3A_95 = tpu.memref_slice %arg4[%add3A_89] : memref<2097152xf32, #tpu.memory_space<hbm>> -> memref<4096xf32, #tpu.memory_space<hbm>>
      tpu.enqueue_dma source(%dma_start3A_95 : memref<4096xf32, #tpu.memory_space<hbm>>) target(%arg14 : memref<4096xf32, #tpu.memory_space<vmem>>) target_semaphore(%arg17 : memref<!tpu.dma_semaphore, #tpu.memory_space<semaphore_mem>>)
      %dma_start3A_96 = arith.constant 0 : i32
      %dma_start3A_97 = tpu.memref_slice %arg8[%dma_start3A_96] : memref<524288xf32, #tpu.memory_space<vmem_shared>> -> memref<524288xf32, #tpu.memory_space<vmem_shared>>
      tpu.enqueue_indirect_dma source(%dma_start3A_97 : memref<524288xf32, #tpu.memory_space<vmem_shared>>) target(%arg19 : memref<4096xf32, #tpu.memory_space<vmem>>) offsets(%arg9 : memref<4096xi32, #tpu.memory_space<vmem>>) semaphore(%arg18 : memref<!tpu.dma_semaphore, #tpu.memory_space<semaphore_mem>>)
      %dma_wait3A_98 = arith.constant 0 : i32
      %dma_wait3A_99 = tpu.memref_slice %arg8[%dma_wait3A_98] : memref<524288xf32, #tpu.memory_space<vmem_shared>> -> memref<524288xf32, #tpu.memory_space<vmem_shared>>
      tpu.wait_indirect_dma semaphore(%arg18 : memref<!tpu.dma_semaphore, #tpu.memory_space<semaphore_mem>>) src(%dma_wait3A_99 : memref<524288xf32, #tpu.memory_space<vmem_shared>>) dst(%arg19 : memref<4096xf32, #tpu.memory_space<vmem>>)
      %scan3A_100 = arith.constant 0 : i32
      %scan3A_101 = arith.constant 0 : i32
      %scan3A_102 = arith.constant 256 : i32
      %scan3A_103 = arith.addi %scan3A_101, %scan3A_102 : i32
      %scan3A_104 = arith.constant 1 : i32
      scf.for %scan3A_140 = %scan3A_101 to %scan3A_103 step %scan3A_104  : i32 {
        %mul3A_141 = arith.constant 16 : i32
        %mul3A_142 = arith.muli %scan3A_140, %mul3A_141 : i32
        %get3A = arith.index_cast %mul3A_142 : i32 to index
        %get3A_143 = tpu.vector_load %arg19[%get3A] {strides = array<i32>} : memref<4096xf32, #tpu.memory_space<vmem>>, vector<16xf32>,
        %get3A_144 = arith.index_cast %mul3A_142 : i32 to index
        %get3A_145 = tpu.vector_load %arg11[%get3A_144] {strides = array<i32>} : memref<4096xf32, #tpu.memory_space<vmem>>, vector<16xf32>,
        %mul3A_146 = arith.mulf %get3A_143, %get3A_145 : vector<16xf32>
        %swap3A = arith.index_cast %mul3A_142 : i32 to index
        %swap3A_147 = tpu.vector_load %arg15[%swap3A] {strides = array<i32>} : memref<4096xf32, #tpu.memory_space<vmem>>, vector<16xf32>,
        tpu.vector_store %arg15[%swap3A], %mul3A_146 {strides = array<i32>} : memref<4096xf32, #tpu.memory_space<vmem>>, vector<16xf32>,
      }
      %scan3A_105 = arith.constant 256 : i32
      %dma_start3A_106 = arith.constant 0 : i32
      %dma_start3A_107 = tpu.memref_slice %arg7[%dma_start3A_106] : memref<524288xf32, #tpu.memory_space<vmem_shared>> -> memref<524288xf32, #tpu.memory_space<vmem_shared>>
      tpu.enqueue_indirect_dma source(%arg15 : memref<4096xf32, #tpu.memory_space<vmem>>) target(%dma_start3A_107 : memref<524288xf32, #tpu.memory_space<vmem_shared>>) offsets(%arg10 : memref<4096xi32, #tpu.memory_space<vmem>>) semaphore(%arg21 : memref<!tpu.dma_semaphore, #tpu.memory_space<semaphore_mem>>) {add = true}
      %dma_wait3A_108 = arith.constant 0 : i32
      %dma_wait3A_109 = tpu.memref_slice %arg2[%dma_wait3A_108] : memref<2097152xi32, #tpu.memory_space<hbm>> -> memref<4096xi32, #tpu.memory_space<hbm>>
      %dma_wait3A_110 = arith.constant 0 : i32
      %dma_wait3A_111 = tpu.memref_slice %arg2[%dma_wait3A_110] : memref<2097152xi32, #tpu.memory_space<hbm>> -> memref<4096xi32, #tpu.memory_space<hbm>>
      tpu.wait_dma2 semaphore(%arg17 : memref<!tpu.dma_semaphore, #tpu.memory_space<semaphore_mem>>) src(%dma_wait3A_111 : memref<4096xi32, #tpu.memory_space<hbm>>) dst(%arg12 : memref<4096xi32, #tpu.memory_space<vmem>>)
      %dma_wait3A_112 = arith.constant 0 : i32
      %dma_wait3A_113 = tpu.memref_slice %arg3[%dma_wait3A_112] : memref<2097152xi32, #tpu.memory_space<hbm>> -> memref<4096xi32, #tpu.memory_space<hbm>>
      %dma_wait3A_114 = arith.constant 0 : i32
      %dma_wait3A_115 = tpu.memref_slice %arg3[%dma_wait3A_114] : memref<2097152xi32, #tpu.memory_space<hbm>> -> memref<4096xi32, #tpu.memory_space<hbm>>
      tpu.wait_dma2 semaphore(%arg17 : memref<!tpu.dma_semaphore, #tpu.memory_space<semaphore_mem>>) src(%dma_wait3A_115 : memref<4096xi32, #tpu.memory_space<hbm>>) dst(%arg13 : memref<4096xi32, #tpu.memory_space<vmem>>)
      %dma_wait3A_116 = arith.constant 0 : i32
      %dma_wait3A_117 = tpu.memref_slice %arg4[%dma_wait3A_116] : memref<2097152xf32, #tpu.memory_space<hbm>> -> memref<4096xf32, #tpu.memory_space<hbm>>
      %dma_wait3A_118 = arith.constant 0 : i32
      %dma_wait3A_119 = tpu.memref_slice %arg4[%dma_wait3A_118] : memref<2097152xf32, #tpu.memory_space<hbm>> -> memref<4096xf32, #tpu.memory_space<hbm>>
      tpu.wait_dma2 semaphore(%arg17 : memref<!tpu.dma_semaphore, #tpu.memory_space<semaphore_mem>>) src(%dma_wait3A_119 : memref<4096xf32, #tpu.memory_space<hbm>>) dst(%arg14 : memref<4096xf32, #tpu.memory_space<vmem>>)
      %dma_start3A_120 = arith.constant 0 : i32
      %dma_start3A_121 = tpu.memref_slice %arg8[%dma_start3A_120] : memref<524288xf32, #tpu.memory_space<vmem_shared>> -> memref<524288xf32, #tpu.memory_space<vmem_shared>>
      tpu.enqueue_indirect_dma source(%dma_start3A_121 : memref<524288xf32, #tpu.memory_space<vmem_shared>>) target(%arg19 : memref<4096xf32, #tpu.memory_space<vmem>>) offsets(%arg12 : memref<4096xi32, #tpu.memory_space<vmem>>) semaphore(%arg18 : memref<!tpu.dma_semaphore, #tpu.memory_space<semaphore_mem>>)
      %dma_wait3A_122 = arith.constant 0 : i32
      %dma_wait3A_123 = tpu.memref_slice %arg8[%dma_wait3A_122] : memref<524288xf32, #tpu.memory_space<vmem_shared>> -> memref<524288xf32, #tpu.memory_space<vmem_shared>>
      tpu.wait_indirect_dma semaphore(%arg18 : memref<!tpu.dma_semaphore, #tpu.memory_space<semaphore_mem>>) src(%dma_wait3A_123 : memref<524288xf32, #tpu.memory_space<vmem_shared>>) dst(%arg19 : memref<4096xf32, #tpu.memory_space<vmem>>)
      %scan3A_124 = arith.constant 0 : i32
      %scan3A_125 = arith.constant 0 : i32
      %scan3A_126 = arith.constant 256 : i32
      %scan3A_127 = arith.addi %scan3A_125, %scan3A_126 : i32
      %scan3A_128 = arith.constant 1 : i32
      scf.for %scan3A_140 = %scan3A_125 to %scan3A_127 step %scan3A_128  : i32 {
        %mul3A_141 = arith.constant 16 : i32
        %mul3A_142 = arith.muli %scan3A_140, %mul3A_141 : i32
        %get3A = arith.index_cast %mul3A_142 : i32 to index
        %get3A_143 = tpu.vector_load %arg19[%get3A] {strides = array<i32>} : memref<4096xf32, #tpu.memory_space<vmem>>, vector<16xf32>,
        %get3A_144 = arith.index_cast %mul3A_142 : i32 to index
        %get3A_145 = tpu.vector_load %arg14[%get3A_144] {strides = array<i32>} : memref<4096xf32, #tpu.memory_space<vmem>>, vector<16xf32>,
        %mul3A_146 = arith.mulf %get3A_143, %get3A_145 : vector<16xf32>
        %swap3A = arith.index_cast %mul3A_142 : i32 to index
        %swap3A_147 = tpu.vector_load %arg20[%swap3A] {strides = array<i32>} : memref<4096xf32, #tpu.memory_space<vmem>>, vector<16xf32>,
        tpu.vector_store %arg20[%swap3A], %mul3A_146 {strides = array<i32>} : memref<4096xf32, #tpu.memory_space<vmem>>, vector<16xf32>,
      }
      %scan3A_129 = arith.constant 256 : i32
      %dma_wait3A_130 = arith.constant 0 : i32
      %dma_wait3A_131 = tpu.memref_slice %arg7[%dma_wait3A_130] : memref<524288xf32, #tpu.memory_space<vmem_shared>> -> memref<524288xf32, #tpu.memory_space<vmem_shared>>
      tpu.wait_indirect_dma semaphore(%arg21 : memref<!tpu.dma_semaphore, #tpu.memory_space<semaphore_mem>>) src(%arg15 : memref<4096xf32, #tpu.memory_space<vmem>>) dst(%dma_wait3A_131 : memref<524288xf32, #tpu.memory_space<vmem_shared>>)
      %add3A_132 = arith.constant 2 : i32
      %add3A_133 = arith.addi %mul3A_68, %add3A_132 : i32
      %lt3A = arith.constant 16 : i32
      %lt3A_134 = arith.cmpi slt, %add3A_133, %lt3A : i32
      %convert_element_type3A_135 = arith.extui %lt3A_134 : i1 to i32
      %cond3A_136 = arith.constant 0 : i32
      %cond3A_137 = arith.cmpi ne, %convert_element_type3A_135, %cond3A_136 : i32
      scf.if %cond3A_137 {
        %add3A_140 = arith.constant 2 : i32
        %add3A_141 = arith.addi %mul3A_68, %add3A_140 : i32
        %mul3A_142 = arith.constant 65536 : i32
        %mul3A_143 = arith.muli %add3A, %mul3A_142 : i32
        %mul3A_144 = arith.constant 4096 : i32
        %mul3A_145 = arith.muli %add3A_141, %mul3A_144 : i32
        %add3A_146 = arith.addi %mul3A_143, %mul3A_145 : i32
        %dma_start3A_147 = tpu.memref_slice %arg2[%add3A_146] : memref<2097152xi32, #tpu.memory_space<hbm>> -> memref<4096xi32, #tpu.memory_space<hbm>>
        %dma_start3A_148 = tpu.memref_slice %arg2[%add3A_146] : memref<2097152xi32, #tpu.memory_space<hbm>> -> memref<4096xi32, #tpu.memory_space<hbm>>
        tpu.enqueue_dma source(%dma_start3A_148 : memref<4096xi32, #tpu.memory_space<hbm>>) target(%arg9 : memref<4096xi32, #tpu.memory_space<vmem>>) target_semaphore(%arg16 : memref<!tpu.dma_semaphore, #tpu.memory_space<semaphore_mem>>)
        %dma_start3A_149 = tpu.memref_slice %arg3[%add3A_146] : memref<2097152xi32, #tpu.memory_space<hbm>> -> memref<4096xi32, #tpu.memory_space<hbm>>
        %dma_start3A_150 = tpu.memref_slice %arg3[%add3A_146] : memref<2097152xi32, #tpu.memory_space<hbm>> -> memref<4096xi32, #tpu.memory_space<hbm>>
        tpu.enqueue_dma source(%dma_start3A_150 : memref<4096xi32, #tpu.memory_space<hbm>>) target(%arg10 : memref<4096xi32, #tpu.memory_space<vmem>>) target_semaphore(%arg16 : memref<!tpu.dma_semaphore, #tpu.memory_space<semaphore_mem>>)
        %dma_start3A_151 = tpu.memref_slice %arg4[%add3A_146] : memref<2097152xf32, #tpu.memory_space<hbm>> -> memref<4096xf32, #tpu.memory_space<hbm>>
        %dma_start3A_152 = tpu.memref_slice %arg4[%add3A_146] : memref<2097152xf32, #tpu.memory_space<hbm>> -> memref<4096xf32, #tpu.memory_space<hbm>>
        tpu.enqueue_dma source(%dma_start3A_152 : memref<4096xf32, #tpu.memory_space<hbm>>) target(%arg11 : memref<4096xf32, #tpu.memory_space<vmem>>) target_semaphore(%arg16 : memref<!tpu.dma_semaphore, #tpu.memory_space<semaphore_mem>>)
      } else {
      }
      %dma_start3A_138 = arith.constant 0 : i32
      %dma_start3A_139 = tpu.memref_slice %arg7[%dma_start3A_138] : memref<524288xf32, #tpu.memory_space<vmem_shared>> -> memref<524288xf32, #tpu.memory_space<vmem_shared>>
      tpu.enqueue_indirect_dma source(%arg20 : memref<4096xf32, #tpu.memory_space<vmem>>) target(%dma_start3A_139 : memref<524288xf32, #tpu.memory_space<vmem_shared>>) offsets(%arg13 : memref<4096xi32, #tpu.memory_space<vmem>>) semaphore(%arg22 : memref<!tpu.dma_semaphore, #tpu.memory_space<semaphore_mem>>) {add = true}
    }
    %scan3A_56 = arith.constant 8 : i32
    %dma_wait3A = arith.constant 0 : i32
    %dma_wait3A_57 = tpu.memref_slice %arg7[%dma_wait3A] : memref<524288xf32, #tpu.memory_space<vmem_shared>> -> memref<524288xf32, #tpu.memory_space<vmem_shared>>
    tpu.wait_indirect_dma semaphore(%arg22 : memref<!tpu.dma_semaphore, #tpu.memory_space<semaphore_mem>>) src(%arg20 : memref<4096xf32, #tpu.memory_space<vmem>>) dst(%dma_wait3A_57 : memref<524288xf32, #tpu.memory_space<vmem_shared>>)
    %barrier3A_58 = arith.constant 0 : index
    tpu.barrier barrier_id(%barrier3A_58)
    %mul3A_59 = arith.constant 32768 : i32
    %mul3A_60 = arith.muli %arg1, %mul3A_59 : i32
    %mul3A_61 = arith.constant 524288 : i32
    %mul3A_62 = arith.muli %arg0, %mul3A_61 : i32
    %mul3A_63 = arith.constant 32768 : i32
    %mul3A_64 = arith.muli %arg1, %mul3A_63 : i32
    %add3A_65 = arith.addi %mul3A_62, %mul3A_64 : i32
    "tpu.region"() ({
      %run_scoped3A = tpu.sem_alloc : memref<!tpu.dma_semaphore, #tpu.memory_space<semaphore_mem>>
      %dma_start3A_66 = tpu.memref_slice %arg6[%add3A_65] : memref<1048576xf32, #tpu.memory_space<hbm>> -> memref<32768xf32, #tpu.memory_space<hbm>>
      %dma_start3A_67 = tpu.memref_slice %arg7[%mul3A_60] : memref<524288xf32, #tpu.memory_space<vmem_shared>> -> memref<32768xf32, #tpu.memory_space<vmem_shared>>
      tpu.enqueue_dma source(%dma_start3A_67 : memref<32768xf32, #tpu.memory_space<vmem_shared>>) target(%dma_start3A_66 : memref<32768xf32, #tpu.memory_space<hbm>>) target_semaphore(%run_scoped3A : memref<!tpu.dma_semaphore, #tpu.memory_space<semaphore_mem>>)
      %dma_wait3A_68 = tpu.memref_slice %arg6[%add3A_65] : memref<1048576xf32, #tpu.memory_space<hbm>> -> memref<32768xf32, #tpu.memory_space<hbm>>
      %dma_wait3A_69 = tpu.memref_slice %arg7[%mul3A_60] : memref<524288xf32, #tpu.memory_space<vmem_shared>> -> memref<32768xf32, #tpu.memory_space<vmem_shared>>
      tpu.wait_dma2 semaphore(%run_scoped3A : memref<!tpu.dma_semaphore, #tpu.memory_space<semaphore_mem>>) src(%dma_wait3A_69 : memref<32768xf32, #tpu.memory_space<vmem_shared>>) dst(%dma_wait3A_68 : memref<32768xf32, #tpu.memory_space<hbm>>)
      tpu.yield
    }) : () -> ()
    return
  }
}

#map = affine_map<(d0, d1) -> (0)>
module attributes {stable_mosaic.version = 14 : i64} {
  func.func @body(%arg0: i32, %arg1: i32, %arg2: memref<2097152xi32, #tpu.memory_space<hbm>>, %arg3: memref<2097152xi32, #tpu.memory_space<hbm>>, %arg4: memref<2097152xf32, #tpu.memory_space<hbm>>, %arg5: memref<65536xf32, #tpu.memory_space<hbm>>, %arg6: memref<1048576xf32, #tpu.memory_space<hbm>>, %arg7: memref<524288xf32, #tpu.memory_space<vmem_shared>>, %arg8: memref<65536xf32, #tpu.memory_space<vmem>>, %arg9: memref<4096xi32, #tpu.memory_space<vmem>>, %arg10: memref<4096xi32, #tpu.memory_space<vmem>>, %arg11: memref<4096xf32, #tpu.memory_space<vmem>>, %arg12: memref<4096xi32, #tpu.memory_space<vmem>>, %arg13: memref<4096xi32, #tpu.memory_space<vmem>>, %arg14: memref<4096xf32, #tpu.memory_space<vmem>>, %arg15: memref<4096xf32, #tpu.memory_space<vmem>>, %arg16: memref<!tpu.dma_semaphore, #tpu.memory_space<semaphore_mem>>, %arg17: memref<!tpu.dma_semaphore, #tpu.memory_space<semaphore_mem>>, %arg18: memref<!tpu.dma_semaphore, #tpu.memory_space<semaphore_mem>>) attributes {dimension_semantics = [#tpu.dimension_semantics<core_parallel>, #tpu.dimension_semantics<subcore_parallel>], iteration_bounds = array<i64: 2, 16>, scalar_prefetch = 0 : i64, scratch_operands = 12 : i64, tpu.core_type = #tpu.core_type<sc_vector_subcore>, window_params = [{transform_indices = #map}, {transform_indices = #map}, {transform_indices = #map}, {transform_indices = #map}, {transform_indices = #map}]} {
    %mul3A = arith.constant 16 : i32
    %mul3A_0 = arith.muli %arg0, %mul3A : i32
    %add3A = arith.addi %mul3A_0, %arg1 : i32
    %scan3A = arith.constant 0 : i32
    %scan3A_1 = arith.constant 0 : i32
    %scan3A_2 = arith.constant 256 : i32
    %scan3A_3 = arith.addi %scan3A_1, %scan3A_2 : i32
    %scan3A_4 = arith.constant 1 : i32
    scf.for %scan3A_61 = %scan3A_1 to %scan3A_3 step %scan3A_4  : i32 {
      %mul3A_62 = arith.constant 16 : i32
      %mul3A_63 = arith.muli %scan3A_61, %mul3A_62 : i32
      %broadcast_in_dim3A = arith.constant 0.000000e+00 : f32
      %broadcast_in_dim3A_64 = vector.broadcast %broadcast_in_dim3A : f32 to vector<16xf32>
      %swap3A = arith.index_cast %mul3A_63 : i32 to index
      %swap3A_65 = tpu.vector_load %arg15[%swap3A] {strides = array<i32>} : memref<4096xf32, #tpu.memory_space<vmem>>, vector<16xf32>,
      tpu.vector_store %arg15[%swap3A], %broadcast_in_dim3A_64 {strides = array<i32>} : memref<4096xf32, #tpu.memory_space<vmem>>, vector<16xf32>,
    }
    %scan3A_5 = arith.constant 256 : i32
    %mul3A_6 = arith.constant 32768 : i32
    %mul3A_7 = arith.muli %arg1, %mul3A_6 : i32
    %add3A_8 = arith.constant 0 : i32
    %add3A_9 = arith.addi %mul3A_7, %add3A_8 : i32
    "tpu.region"() ({
      %run_scoped3A = tpu.sem_alloc : memref<!tpu.dma_semaphore, #tpu.memory_space<semaphore_mem>>
      %dma_start3A_61 = tpu.memref_slice %arg7[%add3A_9] : memref<524288xf32, #tpu.memory_space<vmem_shared>> -> memref<4096xf32, #tpu.memory_space<vmem_shared>>
      %dma_start3A_62 = tpu.memref_slice %arg7[%add3A_9] : memref<524288xf32, #tpu.memory_space<vmem_shared>> -> memref<4096xf32, #tpu.memory_space<vmem_shared>>
      tpu.enqueue_dma source(%arg15 : memref<4096xf32, #tpu.memory_space<vmem>>) target(%dma_start3A_62 : memref<4096xf32, #tpu.memory_space<vmem_shared>>) target_semaphore(%run_scoped3A : memref<!tpu.dma_semaphore, #tpu.memory_space<semaphore_mem>>)
      %dma_wait3A = tpu.memref_slice %arg7[%add3A_9] : memref<524288xf32, #tpu.memory_space<vmem_shared>> -> memref<4096xf32, #tpu.memory_space<vmem_shared>>
      %dma_wait3A_63 = tpu.memref_slice %arg7[%add3A_9] : memref<524288xf32, #tpu.memory_space<vmem_shared>> -> memref<4096xf32, #tpu.memory_space<vmem_shared>>
      tpu.wait_dma2 semaphore(%run_scoped3A : memref<!tpu.dma_semaphore, #tpu.memory_space<semaphore_mem>>) src(%arg15 : memref<4096xf32, #tpu.memory_space<vmem>>) dst(%dma_wait3A_63 : memref<4096xf32, #tpu.memory_space<vmem_shared>>)
      tpu.yield
    }) : () -> ()
    %mul3A_10 = arith.constant 32768 : i32
    %mul3A_11 = arith.muli %arg1, %mul3A_10 : i32
    %add3A_12 = arith.constant 4096 : i32
    %add3A_13 = arith.addi %mul3A_11, %add3A_12 : i32
    "tpu.region"() ({
      %run_scoped3A = tpu.sem_alloc : memref<!tpu.dma_semaphore, #tpu.memory_space<semaphore_mem>>
      %dma_start3A_61 = tpu.memref_slice %arg7[%add3A_13] : memref<524288xf32, #tpu.memory_space<vmem_shared>> -> memref<4096xf32, #tpu.memory_space<vmem_shared>>
      %dma_start3A_62 = tpu.memref_slice %arg7[%add3A_13] : memref<524288xf32, #tpu.memory_space<vmem_shared>> -> memref<4096xf32, #tpu.memory_space<vmem_shared>>
      tpu.enqueue_dma source(%arg15 : memref<4096xf32, #tpu.memory_space<vmem>>) target(%dma_start3A_62 : memref<4096xf32, #tpu.memory_space<vmem_shared>>) target_semaphore(%run_scoped3A : memref<!tpu.dma_semaphore, #tpu.memory_space<semaphore_mem>>)
      %dma_wait3A = tpu.memref_slice %arg7[%add3A_13] : memref<524288xf32, #tpu.memory_space<vmem_shared>> -> memref<4096xf32, #tpu.memory_space<vmem_shared>>
      %dma_wait3A_63 = tpu.memref_slice %arg7[%add3A_13] : memref<524288xf32, #tpu.memory_space<vmem_shared>> -> memref<4096xf32, #tpu.memory_space<vmem_shared>>
      tpu.wait_dma2 semaphore(%run_scoped3A : memref<!tpu.dma_semaphore, #tpu.memory_space<semaphore_mem>>) src(%arg15 : memref<4096xf32, #tpu.memory_space<vmem>>) dst(%dma_wait3A_63 : memref<4096xf32, #tpu.memory_space<vmem_shared>>)
      tpu.yield
    }) : () -> ()
    %mul3A_14 = arith.constant 32768 : i32
    %mul3A_15 = arith.muli %arg1, %mul3A_14 : i32
    %add3A_16 = arith.constant 8192 : i32
    %add3A_17 = arith.addi %mul3A_15, %add3A_16 : i32
    "tpu.region"() ({
      %run_scoped3A = tpu.sem_alloc : memref<!tpu.dma_semaphore, #tpu.memory_space<semaphore_mem>>
      %dma_start3A_61 = tpu.memref_slice %arg7[%add3A_17] : memref<524288xf32, #tpu.memory_space<vmem_shared>> -> memref<4096xf32, #tpu.memory_space<vmem_shared>>
      %dma_start3A_62 = tpu.memref_slice %arg7[%add3A_17] : memref<524288xf32, #tpu.memory_space<vmem_shared>> -> memref<4096xf32, #tpu.memory_space<vmem_shared>>
      tpu.enqueue_dma source(%arg15 : memref<4096xf32, #tpu.memory_space<vmem>>) target(%dma_start3A_62 : memref<4096xf32, #tpu.memory_space<vmem_shared>>) target_semaphore(%run_scoped3A : memref<!tpu.dma_semaphore, #tpu.memory_space<semaphore_mem>>)
      %dma_wait3A = tpu.memref_slice %arg7[%add3A_17] : memref<524288xf32, #tpu.memory_space<vmem_shared>> -> memref<4096xf32, #tpu.memory_space<vmem_shared>>
      %dma_wait3A_63 = tpu.memref_slice %arg7[%add3A_17] : memref<524288xf32, #tpu.memory_space<vmem_shared>> -> memref<4096xf32, #tpu.memory_space<vmem_shared>>
      tpu.wait_dma2 semaphore(%run_scoped3A : memref<!tpu.dma_semaphore, #tpu.memory_space<semaphore_mem>>) src(%arg15 : memref<4096xf32, #tpu.memory_space<vmem>>) dst(%dma_wait3A_63 : memref<4096xf32, #tpu.memory_space<vmem_shared>>)
      tpu.yield
    }) : () -> ()
    %mul3A_18 = arith.constant 32768 : i32
    %mul3A_19 = arith.muli %arg1, %mul3A_18 : i32
    %add3A_20 = arith.constant 12288 : i32
    %add3A_21 = arith.addi %mul3A_19, %add3A_20 : i32
    "tpu.region"() ({
      %run_scoped3A = tpu.sem_alloc : memref<!tpu.dma_semaphore, #tpu.memory_space<semaphore_mem>>
      %dma_start3A_61 = tpu.memref_slice %arg7[%add3A_21] : memref<524288xf32, #tpu.memory_space<vmem_shared>> -> memref<4096xf32, #tpu.memory_space<vmem_shared>>
      %dma_start3A_62 = tpu.memref_slice %arg7[%add3A_21] : memref<524288xf32, #tpu.memory_space<vmem_shared>> -> memref<4096xf32, #tpu.memory_space<vmem_shared>>
      tpu.enqueue_dma source(%arg15 : memref<4096xf32, #tpu.memory_space<vmem>>) target(%dma_start3A_62 : memref<4096xf32, #tpu.memory_space<vmem_shared>>) target_semaphore(%run_scoped3A : memref<!tpu.dma_semaphore, #tpu.memory_space<semaphore_mem>>)
      %dma_wait3A = tpu.memref_slice %arg7[%add3A_21] : memref<524288xf32, #tpu.memory_space<vmem_shared>> -> memref<4096xf32, #tpu.memory_space<vmem_shared>>
      %dma_wait3A_63 = tpu.memref_slice %arg7[%add3A_21] : memref<524288xf32, #tpu.memory_space<vmem_shared>> -> memref<4096xf32, #tpu.memory_space<vmem_shared>>
      tpu.wait_dma2 semaphore(%run_scoped3A : memref<!tpu.dma_semaphore, #tpu.memory_space<semaphore_mem>>) src(%arg15 : memref<4096xf32, #tpu.memory_space<vmem>>) dst(%dma_wait3A_63 : memref<4096xf32, #tpu.memory_space<vmem_shared>>)
      tpu.yield
    }) : () -> ()
    %mul3A_22 = arith.constant 32768 : i32
    %mul3A_23 = arith.muli %arg1, %mul3A_22 : i32
    %add3A_24 = arith.constant 16384 : i32
    %add3A_25 = arith.addi %mul3A_23, %add3A_24 : i32
    "tpu.region"() ({
      %run_scoped3A = tpu.sem_alloc : memref<!tpu.dma_semaphore, #tpu.memory_space<semaphore_mem>>
      %dma_start3A_61 = tpu.memref_slice %arg7[%add3A_25] : memref<524288xf32, #tpu.memory_space<vmem_shared>> -> memref<4096xf32, #tpu.memory_space<vmem_shared>>
      %dma_start3A_62 = tpu.memref_slice %arg7[%add3A_25] : memref<524288xf32, #tpu.memory_space<vmem_shared>> -> memref<4096xf32, #tpu.memory_space<vmem_shared>>
      tpu.enqueue_dma source(%arg15 : memref<4096xf32, #tpu.memory_space<vmem>>) target(%dma_start3A_62 : memref<4096xf32, #tpu.memory_space<vmem_shared>>) target_semaphore(%run_scoped3A : memref<!tpu.dma_semaphore, #tpu.memory_space<semaphore_mem>>)
      %dma_wait3A = tpu.memref_slice %arg7[%add3A_25] : memref<524288xf32, #tpu.memory_space<vmem_shared>> -> memref<4096xf32, #tpu.memory_space<vmem_shared>>
      %dma_wait3A_63 = tpu.memref_slice %arg7[%add3A_25] : memref<524288xf32, #tpu.memory_space<vmem_shared>> -> memref<4096xf32, #tpu.memory_space<vmem_shared>>
      tpu.wait_dma2 semaphore(%run_scoped3A : memref<!tpu.dma_semaphore, #tpu.memory_space<semaphore_mem>>) src(%arg15 : memref<4096xf32, #tpu.memory_space<vmem>>) dst(%dma_wait3A_63 : memref<4096xf32, #tpu.memory_space<vmem_shared>>)
      tpu.yield
    }) : () -> ()
    %mul3A_26 = arith.constant 32768 : i32
    %mul3A_27 = arith.muli %arg1, %mul3A_26 : i32
    %add3A_28 = arith.constant 20480 : i32
    %add3A_29 = arith.addi %mul3A_27, %add3A_28 : i32
    "tpu.region"() ({
      %run_scoped3A = tpu.sem_alloc : memref<!tpu.dma_semaphore, #tpu.memory_space<semaphore_mem>>
      %dma_start3A_61 = tpu.memref_slice %arg7[%add3A_29] : memref<524288xf32, #tpu.memory_space<vmem_shared>> -> memref<4096xf32, #tpu.memory_space<vmem_shared>>
      %dma_start3A_62 = tpu.memref_slice %arg7[%add3A_29] : memref<524288xf32, #tpu.memory_space<vmem_shared>> -> memref<4096xf32, #tpu.memory_space<vmem_shared>>
      tpu.enqueue_dma source(%arg15 : memref<4096xf32, #tpu.memory_space<vmem>>) target(%dma_start3A_62 : memref<4096xf32, #tpu.memory_space<vmem_shared>>) target_semaphore(%run_scoped3A : memref<!tpu.dma_semaphore, #tpu.memory_space<semaphore_mem>>)
      %dma_wait3A = tpu.memref_slice %arg7[%add3A_29] : memref<524288xf32, #tpu.memory_space<vmem_shared>> -> memref<4096xf32, #tpu.memory_space<vmem_shared>>
      %dma_wait3A_63 = tpu.memref_slice %arg7[%add3A_29] : memref<524288xf32, #tpu.memory_space<vmem_shared>> -> memref<4096xf32, #tpu.memory_space<vmem_shared>>
      tpu.wait_dma2 semaphore(%run_scoped3A : memref<!tpu.dma_semaphore, #tpu.memory_space<semaphore_mem>>) src(%arg15 : memref<4096xf32, #tpu.memory_space<vmem>>) dst(%dma_wait3A_63 : memref<4096xf32, #tpu.memory_space<vmem_shared>>)
      tpu.yield
    }) : () -> ()
    %mul3A_30 = arith.constant 32768 : i32
    %mul3A_31 = arith.muli %arg1, %mul3A_30 : i32
    %add3A_32 = arith.constant 24576 : i32
    %add3A_33 = arith.addi %mul3A_31, %add3A_32 : i32
    "tpu.region"() ({
      %run_scoped3A = tpu.sem_alloc : memref<!tpu.dma_semaphore, #tpu.memory_space<semaphore_mem>>
      %dma_start3A_61 = tpu.memref_slice %arg7[%add3A_33] : memref<524288xf32, #tpu.memory_space<vmem_shared>> -> memref<4096xf32, #tpu.memory_space<vmem_shared>>
      %dma_start3A_62 = tpu.memref_slice %arg7[%add3A_33] : memref<524288xf32, #tpu.memory_space<vmem_shared>> -> memref<4096xf32, #tpu.memory_space<vmem_shared>>
      tpu.enqueue_dma source(%arg15 : memref<4096xf32, #tpu.memory_space<vmem>>) target(%dma_start3A_62 : memref<4096xf32, #tpu.memory_space<vmem_shared>>) target_semaphore(%run_scoped3A : memref<!tpu.dma_semaphore, #tpu.memory_space<semaphore_mem>>)
      %dma_wait3A = tpu.memref_slice %arg7[%add3A_33] : memref<524288xf32, #tpu.memory_space<vmem_shared>> -> memref<4096xf32, #tpu.memory_space<vmem_shared>>
      %dma_wait3A_63 = tpu.memref_slice %arg7[%add3A_33] : memref<524288xf32, #tpu.memory_space<vmem_shared>> -> memref<4096xf32, #tpu.memory_space<vmem_shared>>
      tpu.wait_dma2 semaphore(%run_scoped3A : memref<!tpu.dma_semaphore, #tpu.memory_space<semaphore_mem>>) src(%arg15 : memref<4096xf32, #tpu.memory_space<vmem>>) dst(%dma_wait3A_63 : memref<4096xf32, #tpu.memory_space<vmem_shared>>)
      tpu.yield
    }) : () -> ()
    %mul3A_34 = arith.constant 32768 : i32
    %mul3A_35 = arith.muli %arg1, %mul3A_34 : i32
    %add3A_36 = arith.constant 28672 : i32
    %add3A_37 = arith.addi %mul3A_35, %add3A_36 : i32
    "tpu.region"() ({
      %run_scoped3A = tpu.sem_alloc : memref<!tpu.dma_semaphore, #tpu.memory_space<semaphore_mem>>
      %dma_start3A_61 = tpu.memref_slice %arg7[%add3A_37] : memref<524288xf32, #tpu.memory_space<vmem_shared>> -> memref<4096xf32, #tpu.memory_space<vmem_shared>>
      %dma_start3A_62 = tpu.memref_slice %arg7[%add3A_37] : memref<524288xf32, #tpu.memory_space<vmem_shared>> -> memref<4096xf32, #tpu.memory_space<vmem_shared>>
      tpu.enqueue_dma source(%arg15 : memref<4096xf32, #tpu.memory_space<vmem>>) target(%dma_start3A_62 : memref<4096xf32, #tpu.memory_space<vmem_shared>>) target_semaphore(%run_scoped3A : memref<!tpu.dma_semaphore, #tpu.memory_space<semaphore_mem>>)
      %dma_wait3A = tpu.memref_slice %arg7[%add3A_37] : memref<524288xf32, #tpu.memory_space<vmem_shared>> -> memref<4096xf32, #tpu.memory_space<vmem_shared>>
      %dma_wait3A_63 = tpu.memref_slice %arg7[%add3A_37] : memref<524288xf32, #tpu.memory_space<vmem_shared>> -> memref<4096xf32, #tpu.memory_space<vmem_shared>>
      tpu.wait_dma2 semaphore(%run_scoped3A : memref<!tpu.dma_semaphore, #tpu.memory_space<semaphore_mem>>) src(%arg15 : memref<4096xf32, #tpu.memory_space<vmem>>) dst(%dma_wait3A_63 : memref<4096xf32, #tpu.memory_space<vmem_shared>>)
      tpu.yield
    }) : () -> ()
    "tpu.region"() ({
      %run_scoped3A = tpu.sem_alloc : memref<!tpu.dma_semaphore, #tpu.memory_space<semaphore_mem>>
      tpu.enqueue_dma source(%arg5 : memref<65536xf32, #tpu.memory_space<hbm>>) target(%arg8 : memref<65536xf32, #tpu.memory_space<vmem>>) target_semaphore(%run_scoped3A : memref<!tpu.dma_semaphore, #tpu.memory_space<semaphore_mem>>)
      tpu.wait_dma2 semaphore(%run_scoped3A : memref<!tpu.dma_semaphore, #tpu.memory_space<semaphore_mem>>) src(%arg5 : memref<65536xf32, #tpu.memory_space<hbm>>) dst(%arg8 : memref<65536xf32, #tpu.memory_space<vmem>>)
      tpu.yield
    }) : () -> ()
    %barrier3A = arith.constant 0 : index
    tpu.barrier barrier_id(%barrier3A)
    %mul3A_38 = arith.constant 65536 : i32
    %mul3A_39 = arith.muli %add3A, %mul3A_38 : i32
    %add3A_40 = arith.constant 0 : i32
    %add3A_41 = arith.addi %mul3A_39, %add3A_40 : i32
    %dma_start3A = tpu.memref_slice %arg2[%add3A_41] : memref<2097152xi32, #tpu.memory_space<hbm>> -> memref<4096xi32, #tpu.memory_space<hbm>>
    %dma_start3A_42 = tpu.memref_slice %arg2[%add3A_41] : memref<2097152xi32, #tpu.memory_space<hbm>> -> memref<4096xi32, #tpu.memory_space<hbm>>
    tpu.enqueue_dma source(%dma_start3A_42 : memref<4096xi32, #tpu.memory_space<hbm>>) target(%arg9 : memref<4096xi32, #tpu.memory_space<vmem>>) target_semaphore(%arg16 : memref<!tpu.dma_semaphore, #tpu.memory_space<semaphore_mem>>)
    %dma_start3A_43 = tpu.memref_slice %arg3[%add3A_41] : memref<2097152xi32, #tpu.memory_space<hbm>> -> memref<4096xi32, #tpu.memory_space<hbm>>
    %dma_start3A_44 = tpu.memref_slice %arg3[%add3A_41] : memref<2097152xi32, #tpu.memory_space<hbm>> -> memref<4096xi32, #tpu.memory_space<hbm>>
    tpu.enqueue_dma source(%dma_start3A_44 : memref<4096xi32, #tpu.memory_space<hbm>>) target(%arg10 : memref<4096xi32, #tpu.memory_space<vmem>>) target_semaphore(%arg16 : memref<!tpu.dma_semaphore, #tpu.memory_space<semaphore_mem>>)
    %dma_start3A_45 = tpu.memref_slice %arg4[%add3A_41] : memref<2097152xf32, #tpu.memory_space<hbm>> -> memref<4096xf32, #tpu.memory_space<hbm>>
    %dma_start3A_46 = tpu.memref_slice %arg4[%add3A_41] : memref<2097152xf32, #tpu.memory_space<hbm>> -> memref<4096xf32, #tpu.memory_space<hbm>>
    tpu.enqueue_dma source(%dma_start3A_46 : memref<4096xf32, #tpu.memory_space<hbm>>) target(%arg11 : memref<4096xf32, #tpu.memory_space<vmem>>) target_semaphore(%arg16 : memref<!tpu.dma_semaphore, #tpu.memory_space<semaphore_mem>>)
    %scan3A_47 = arith.constant 0 : i32
    %scan3A_48 = arith.constant 0 : i32
    %scan3A_49 = arith.constant 8 : i32
    %scan3A_50 = arith.addi %scan3A_48, %scan3A_49 : i32
    %scan3A_51 = arith.constant 1 : i32
    scf.for %scan3A_61 = %scan3A_48 to %scan3A_50 step %scan3A_51  : i32 {
      %mul3A_62 = arith.constant 2 : i32
      %mul3A_63 = arith.muli %mul3A_62, %scan3A_61 : i32
      %dma_wait3A = arith.constant 0 : i32
      %dma_wait3A_64 = tpu.memref_slice %arg2[%dma_wait3A] : memref<2097152xi32, #tpu.memory_space<hbm>> -> memref<4096xi32, #tpu.memory_space<hbm>>
      %dma_wait3A_65 = arith.constant 0 : i32
      %dma_wait3A_66 = tpu.memref_slice %arg2[%dma_wait3A_65] : memref<2097152xi32, #tpu.memory_space<hbm>> -> memref<4096xi32, #tpu.memory_space<hbm>>
      tpu.wait_dma2 semaphore(%arg16 : memref<!tpu.dma_semaphore, #tpu.memory_space<semaphore_mem>>) src(%dma_wait3A_66 : memref<4096xi32, #tpu.memory_space<hbm>>) dst(%arg9 : memref<4096xi32, #tpu.memory_space<vmem>>)
      %dma_wait3A_67 = arith.constant 0 : i32
      %dma_wait3A_68 = tpu.memref_slice %arg3[%dma_wait3A_67] : memref<2097152xi32, #tpu.memory_space<hbm>> -> memref<4096xi32, #tpu.memory_space<hbm>>
      %dma_wait3A_69 = arith.constant 0 : i32
      %dma_wait3A_70 = tpu.memref_slice %arg3[%dma_wait3A_69] : memref<2097152xi32, #tpu.memory_space<hbm>> -> memref<4096xi32, #tpu.memory_space<hbm>>
      tpu.wait_dma2 semaphore(%arg16 : memref<!tpu.dma_semaphore, #tpu.memory_space<semaphore_mem>>) src(%dma_wait3A_70 : memref<4096xi32, #tpu.memory_space<hbm>>) dst(%arg10 : memref<4096xi32, #tpu.memory_space<vmem>>)
      %dma_wait3A_71 = arith.constant 0 : i32
      %dma_wait3A_72 = tpu.memref_slice %arg4[%dma_wait3A_71] : memref<2097152xf32, #tpu.memory_space<hbm>> -> memref<4096xf32, #tpu.memory_space<hbm>>
      %dma_wait3A_73 = arith.constant 0 : i32
      %dma_wait3A_74 = tpu.memref_slice %arg4[%dma_wait3A_73] : memref<2097152xf32, #tpu.memory_space<hbm>> -> memref<4096xf32, #tpu.memory_space<hbm>>
      tpu.wait_dma2 semaphore(%arg16 : memref<!tpu.dma_semaphore, #tpu.memory_space<semaphore_mem>>) src(%dma_wait3A_74 : memref<4096xf32, #tpu.memory_space<hbm>>) dst(%arg11 : memref<4096xf32, #tpu.memory_space<vmem>>)
      %add3A_75 = arith.constant 1 : i32
      %add3A_76 = arith.addi %mul3A_63, %add3A_75 : i32
      %mul3A_77 = arith.constant 65536 : i32
      %mul3A_78 = arith.muli %add3A, %mul3A_77 : i32
      %mul3A_79 = arith.constant 4096 : i32
      %mul3A_80 = arith.muli %add3A_76, %mul3A_79 : i32
      %add3A_81 = arith.addi %mul3A_78, %mul3A_80 : i32
      %dma_start3A_82 = tpu.memref_slice %arg2[%add3A_81] : memref<2097152xi32, #tpu.memory_space<hbm>> -> memref<4096xi32, #tpu.memory_space<hbm>>
      %dma_start3A_83 = tpu.memref_slice %arg2[%add3A_81] : memref<2097152xi32, #tpu.memory_space<hbm>> -> memref<4096xi32, #tpu.memory_space<hbm>>
      tpu.enqueue_dma source(%dma_start3A_83 : memref<4096xi32, #tpu.memory_space<hbm>>) target(%arg12 : memref<4096xi32, #tpu.memory_space<vmem>>) target_semaphore(%arg17 : memref<!tpu.dma_semaphore, #tpu.memory_space<semaphore_mem>>)
      %dma_start3A_84 = tpu.memref_slice %arg3[%add3A_81] : memref<2097152xi32, #tpu.memory_space<hbm>> -> memref<4096xi32, #tpu.memory_space<hbm>>
      %dma_start3A_85 = tpu.memref_slice %arg3[%add3A_81] : memref<2097152xi32, #tpu.memory_space<hbm>> -> memref<4096xi32, #tpu.memory_space<hbm>>
      tpu.enqueue_dma source(%dma_start3A_85 : memref<4096xi32, #tpu.memory_space<hbm>>) target(%arg13 : memref<4096xi32, #tpu.memory_space<vmem>>) target_semaphore(%arg17 : memref<!tpu.dma_semaphore, #tpu.memory_space<semaphore_mem>>)
      %dma_start3A_86 = tpu.memref_slice %arg4[%add3A_81] : memref<2097152xf32, #tpu.memory_space<hbm>> -> memref<4096xf32, #tpu.memory_space<hbm>>
      %dma_start3A_87 = tpu.memref_slice %arg4[%add3A_81] : memref<2097152xf32, #tpu.memory_space<hbm>> -> memref<4096xf32, #tpu.memory_space<hbm>>
      tpu.enqueue_dma source(%dma_start3A_87 : memref<4096xf32, #tpu.memory_space<hbm>>) target(%arg14 : memref<4096xf32, #tpu.memory_space<vmem>>) target_semaphore(%arg17 : memref<!tpu.dma_semaphore, #tpu.memory_space<semaphore_mem>>)
      %scan3A_88 = arith.constant 0 : i32
      %scan3A_89 = arith.constant 0 : i32
      %scan3A_90 = arith.constant 256 : i32
      %scan3A_91 = arith.addi %scan3A_89, %scan3A_90 : i32
      %scan3A_92 = arith.constant 1 : i32
      scf.for %scan3A_116 = %scan3A_89 to %scan3A_91 step %scan3A_92  : i32 {
        %mul3A_117 = arith.constant 16 : i32
        %mul3A_118 = arith.muli %scan3A_116, %mul3A_117 : i32
        %get3A = arith.index_cast %mul3A_118 : i32 to index
        %get3A_119 = tpu.vector_load %arg9[%get3A] {strides = array<i32>} : memref<4096xi32, #tpu.memory_space<vmem>>, vector<16xi32>,
        %gather3A = tpu.vector_load_idx %arg8[%get3A_119] : memref<65536xf32, #tpu.memory_space<vmem>>[vector<16xi32>], vector<16xf32>,
        %get3A_120 = arith.index_cast %mul3A_118 : i32 to index
        %get3A_121 = tpu.vector_load %arg11[%get3A_120] {strides = array<i32>} : memref<4096xf32, #tpu.memory_space<vmem>>, vector<16xf32>,
        %mul3A_122 = arith.mulf %gather3A, %get3A_121 : vector<16xf32>
        %swap3A = arith.index_cast %mul3A_118 : i32 to index
        %swap3A_123 = tpu.vector_load %arg15[%swap3A] {strides = array<i32>} : memref<4096xf32, #tpu.memory_space<vmem>>, vector<16xf32>,
        tpu.vector_store %arg15[%swap3A], %mul3A_122 {strides = array<i32>} : memref<4096xf32, #tpu.memory_space<vmem>>, vector<16xf32>,
      }
      %scan3A_93 = arith.constant 256 : i32
      "tpu.region"() ({
        %run_scoped3A = tpu.sem_alloc : memref<!tpu.dma_semaphore, #tpu.memory_space<semaphore_mem>>
        %dma_start3A_116 = arith.constant 0 : i32
        %dma_start3A_117 = tpu.memref_slice %arg7[%dma_start3A_116] : memref<524288xf32, #tpu.memory_space<vmem_shared>> -> memref<524288xf32, #tpu.memory_space<vmem_shared>>
        tpu.enqueue_indirect_dma source(%arg15 : memref<4096xf32, #tpu.memory_space<vmem>>) target(%dma_start3A_117 : memref<524288xf32, #tpu.memory_space<vmem_shared>>) offsets(%arg10 : memref<4096xi32, #tpu.memory_space<vmem>>) semaphore(%run_scoped3A : memref<!tpu.dma_semaphore, #tpu.memory_space<semaphore_mem>>) {add = true}
        %dma_wait3A_118 = arith.constant 0 : i32
        %dma_wait3A_119 = tpu.memref_slice %arg7[%dma_wait3A_118] : memref<524288xf32, #tpu.memory_space<vmem_shared>> -> memref<524288xf32, #tpu.memory_space<vmem_shared>>
        tpu.wait_indirect_dma semaphore(%run_scoped3A : memref<!tpu.dma_semaphore, #tpu.memory_space<semaphore_mem>>) src(%arg15 : memref<4096xf32, #tpu.memory_space<vmem>>) dst(%dma_wait3A_119 : memref<524288xf32, #tpu.memory_space<vmem_shared>>)
        tpu.yield
      }) : () -> ()
      %dma_wait3A_94 = arith.constant 0 : i32
      %dma_wait3A_95 = tpu.memref_slice %arg2[%dma_wait3A_94] : memref<2097152xi32, #tpu.memory_space<hbm>> -> memref<4096xi32, #tpu.memory_space<hbm>>
      %dma_wait3A_96 = arith.constant 0 : i32
      %dma_wait3A_97 = tpu.memref_slice %arg2[%dma_wait3A_96] : memref<2097152xi32, #tpu.memory_space<hbm>> -> memref<4096xi32, #tpu.memory_space<hbm>>
      tpu.wait_dma2 semaphore(%arg17 : memref<!tpu.dma_semaphore, #tpu.memory_space<semaphore_mem>>) src(%dma_wait3A_97 : memref<4096xi32, #tpu.memory_space<hbm>>) dst(%arg12 : memref<4096xi32, #tpu.memory_space<vmem>>)
      %dma_wait3A_98 = arith.constant 0 : i32
      %dma_wait3A_99 = tpu.memref_slice %arg3[%dma_wait3A_98] : memref<2097152xi32, #tpu.memory_space<hbm>> -> memref<4096xi32, #tpu.memory_space<hbm>>
      %dma_wait3A_100 = arith.constant 0 : i32
      %dma_wait3A_101 = tpu.memref_slice %arg3[%dma_wait3A_100] : memref<2097152xi32, #tpu.memory_space<hbm>> -> memref<4096xi32, #tpu.memory_space<hbm>>
      tpu.wait_dma2 semaphore(%arg17 : memref<!tpu.dma_semaphore, #tpu.memory_space<semaphore_mem>>) src(%dma_wait3A_101 : memref<4096xi32, #tpu.memory_space<hbm>>) dst(%arg13 : memref<4096xi32, #tpu.memory_space<vmem>>)
      %dma_wait3A_102 = arith.constant 0 : i32
      %dma_wait3A_103 = tpu.memref_slice %arg4[%dma_wait3A_102] : memref<2097152xf32, #tpu.memory_space<hbm>> -> memref<4096xf32, #tpu.memory_space<hbm>>
      %dma_wait3A_104 = arith.constant 0 : i32
      %dma_wait3A_105 = tpu.memref_slice %arg4[%dma_wait3A_104] : memref<2097152xf32, #tpu.memory_space<hbm>> -> memref<4096xf32, #tpu.memory_space<hbm>>
      tpu.wait_dma2 semaphore(%arg17 : memref<!tpu.dma_semaphore, #tpu.memory_space<semaphore_mem>>) src(%dma_wait3A_105 : memref<4096xf32, #tpu.memory_space<hbm>>) dst(%arg14 : memref<4096xf32, #tpu.memory_space<vmem>>)
      %add3A_106 = arith.constant 2 : i32
      %add3A_107 = arith.addi %mul3A_63, %add3A_106 : i32
      %lt3A = arith.constant 16 : i32
      %lt3A_108 = arith.cmpi slt, %add3A_107, %lt3A : i32
      %convert_element_type3A = arith.extui %lt3A_108 : i1 to i32
      %cond3A = arith.constant 0 : i32
      %cond3A_109 = arith.cmpi ne, %convert_element_type3A, %cond3A : i32
      scf.if %cond3A_109 {
        %add3A_116 = arith.constant 2 : i32
        %add3A_117 = arith.addi %mul3A_63, %add3A_116 : i32
        %mul3A_118 = arith.constant 65536 : i32
        %mul3A_119 = arith.muli %add3A, %mul3A_118 : i32
        %mul3A_120 = arith.constant 4096 : i32
        %mul3A_121 = arith.muli %add3A_117, %mul3A_120 : i32
        %add3A_122 = arith.addi %mul3A_119, %mul3A_121 : i32
        %dma_start3A_123 = tpu.memref_slice %arg2[%add3A_122] : memref<2097152xi32, #tpu.memory_space<hbm>> -> memref<4096xi32, #tpu.memory_space<hbm>>
        %dma_start3A_124 = tpu.memref_slice %arg2[%add3A_122] : memref<2097152xi32, #tpu.memory_space<hbm>> -> memref<4096xi32, #tpu.memory_space<hbm>>
        tpu.enqueue_dma source(%dma_start3A_124 : memref<4096xi32, #tpu.memory_space<hbm>>) target(%arg9 : memref<4096xi32, #tpu.memory_space<vmem>>) target_semaphore(%arg16 : memref<!tpu.dma_semaphore, #tpu.memory_space<semaphore_mem>>)
        %dma_start3A_125 = tpu.memref_slice %arg3[%add3A_122] : memref<2097152xi32, #tpu.memory_space<hbm>> -> memref<4096xi32, #tpu.memory_space<hbm>>
        %dma_start3A_126 = tpu.memref_slice %arg3[%add3A_122] : memref<2097152xi32, #tpu.memory_space<hbm>> -> memref<4096xi32, #tpu.memory_space<hbm>>
        tpu.enqueue_dma source(%dma_start3A_126 : memref<4096xi32, #tpu.memory_space<hbm>>) target(%arg10 : memref<4096xi32, #tpu.memory_space<vmem>>) target_semaphore(%arg16 : memref<!tpu.dma_semaphore, #tpu.memory_space<semaphore_mem>>)
        %dma_start3A_127 = tpu.memref_slice %arg4[%add3A_122] : memref<2097152xf32, #tpu.memory_space<hbm>> -> memref<4096xf32, #tpu.memory_space<hbm>>
        %dma_start3A_128 = tpu.memref_slice %arg4[%add3A_122] : memref<2097152xf32, #tpu.memory_space<hbm>> -> memref<4096xf32, #tpu.memory_space<hbm>>
        tpu.enqueue_dma source(%dma_start3A_128 : memref<4096xf32, #tpu.memory_space<hbm>>) target(%arg11 : memref<4096xf32, #tpu.memory_space<vmem>>) target_semaphore(%arg16 : memref<!tpu.dma_semaphore, #tpu.memory_space<semaphore_mem>>)
      } else {
      }
      %scan3A_110 = arith.constant 0 : i32
      %scan3A_111 = arith.constant 0 : i32
      %scan3A_112 = arith.constant 256 : i32
      %scan3A_113 = arith.addi %scan3A_111, %scan3A_112 : i32
      %scan3A_114 = arith.constant 1 : i32
      scf.for %scan3A_116 = %scan3A_111 to %scan3A_113 step %scan3A_114  : i32 {
        %mul3A_117 = arith.constant 16 : i32
        %mul3A_118 = arith.muli %scan3A_116, %mul3A_117 : i32
        %get3A = arith.index_cast %mul3A_118 : i32 to index
        %get3A_119 = tpu.vector_load %arg12[%get3A] {strides = array<i32>} : memref<4096xi32, #tpu.memory_space<vmem>>, vector<16xi32>,
        %gather3A = tpu.vector_load_idx %arg8[%get3A_119] : memref<65536xf32, #tpu.memory_space<vmem>>[vector<16xi32>], vector<16xf32>,
        %get3A_120 = arith.index_cast %mul3A_118 : i32 to index
        %get3A_121 = tpu.vector_load %arg14[%get3A_120] {strides = array<i32>} : memref<4096xf32, #tpu.memory_space<vmem>>, vector<16xf32>,
        %mul3A_122 = arith.mulf %gather3A, %get3A_121 : vector<16xf32>
        %swap3A = arith.index_cast %mul3A_118 : i32 to index
        %swap3A_123 = tpu.vector_load %arg15[%swap3A] {strides = array<i32>} : memref<4096xf32, #tpu.memory_space<vmem>>, vector<16xf32>,
        tpu.vector_store %arg15[%swap3A], %mul3A_122 {strides = array<i32>} : memref<4096xf32, #tpu.memory_space<vmem>>, vector<16xf32>,
      }
      %scan3A_115 = arith.constant 256 : i32
      "tpu.region"() ({
        %run_scoped3A = tpu.sem_alloc : memref<!tpu.dma_semaphore, #tpu.memory_space<semaphore_mem>>
        %dma_start3A_116 = arith.constant 0 : i32
        %dma_start3A_117 = tpu.memref_slice %arg7[%dma_start3A_116] : memref<524288xf32, #tpu.memory_space<vmem_shared>> -> memref<524288xf32, #tpu.memory_space<vmem_shared>>
        tpu.enqueue_indirect_dma source(%arg15 : memref<4096xf32, #tpu.memory_space<vmem>>) target(%dma_start3A_117 : memref<524288xf32, #tpu.memory_space<vmem_shared>>) offsets(%arg13 : memref<4096xi32, #tpu.memory_space<vmem>>) semaphore(%run_scoped3A : memref<!tpu.dma_semaphore, #tpu.memory_space<semaphore_mem>>) {add = true}
        %dma_wait3A_118 = arith.constant 0 : i32
        %dma_wait3A_119 = tpu.memref_slice %arg7[%dma_wait3A_118] : memref<524288xf32, #tpu.memory_space<vmem_shared>> -> memref<524288xf32, #tpu.memory_space<vmem_shared>>
        tpu.wait_indirect_dma semaphore(%run_scoped3A : memref<!tpu.dma_semaphore, #tpu.memory_space<semaphore_mem>>) src(%arg15 : memref<4096xf32, #tpu.memory_space<vmem>>) dst(%dma_wait3A_119 : memref<524288xf32, #tpu.memory_space<vmem_shared>>)
        tpu.yield
      }) : () -> ()
    }
    %scan3A_52 = arith.constant 8 : i32
    %barrier3A_53 = arith.constant 0 : index
    tpu.barrier barrier_id(%barrier3A_53)
    %mul3A_54 = arith.constant 32768 : i32
    %mul3A_55 = arith.muli %arg1, %mul3A_54 : i32
    %mul3A_56 = arith.constant 524288 : i32
    %mul3A_57 = arith.muli %arg0, %mul3A_56 : i32
    %mul3A_58 = arith.constant 32768 : i32
    %mul3A_59 = arith.muli %arg1, %mul3A_58 : i32
    %add3A_60 = arith.addi %mul3A_57, %mul3A_59 : i32
    "tpu.region"() ({
      %run_scoped3A = tpu.sem_alloc : memref<!tpu.dma_semaphore, #tpu.memory_space<semaphore_mem>>
      %dma_start3A_61 = tpu.memref_slice %arg6[%add3A_60] : memref<1048576xf32, #tpu.memory_space<hbm>> -> memref<32768xf32, #tpu.memory_space<hbm>>
      %dma_start3A_62 = tpu.memref_slice %arg7[%mul3A_55] : memref<524288xf32, #tpu.memory_space<vmem_shared>> -> memref<32768xf32, #tpu.memory_space<vmem_shared>>
      tpu.enqueue_dma source(%dma_start3A_62 : memref<32768xf32, #tpu.memory_space<vmem_shared>>) target(%dma_start3A_61 : memref<32768xf32, #tpu.memory_space<hbm>>) target_semaphore(%run_scoped3A : memref<!tpu.dma_semaphore, #tpu.memory_space<semaphore_mem>>)
      %dma_wait3A = tpu.memref_slice %arg6[%add3A_60] : memref<1048576xf32, #tpu.memory_space<hbm>> -> memref<32768xf32, #tpu.memory_space<hbm>>
      %dma_wait3A_63 = tpu.memref_slice %arg7[%mul3A_55] : memref<524288xf32, #tpu.memory_space<vmem_shared>> -> memref<32768xf32, #tpu.memory_space<vmem_shared>>
      tpu.wait_dma2 semaphore(%run_scoped3A : memref<!tpu.dma_semaphore, #tpu.memory_space<semaphore_mem>>) src(%dma_wait3A_63 : memref<32768xf32, #tpu.memory_space<vmem_shared>>) dst(%dma_wait3A : memref<32768xf32, #tpu.memory_space<hbm>>)
      tpu.yield
    }) : () -> ()
    return
  }
}

module attributes {stable_mosaic.version = 14 : i64} {
  func.func @_dense1_body(%arg0: i32, %arg1: memref<512x128xf32, #tpu.memory_space<vmem>>, %arg2: memref<512x128xf32, #tpu.memory_space<vmem>>, %arg3: memref<512x128xf32, #tpu.memory_space<vmem>>, %arg4: memref<512x128xf32, #tpu.memory_space<vmem>>, %arg5: memref<512x16xf32, #tpu.memory_space<vmem>>) attributes {dimension_semantics = [#tpu.dimension_semantics<arbitrary>], iteration_bounds = array<i64: 8>, scalar_prefetch = 0 : i64, scratch_operands = 0 : i64, tpu.core_type = #tpu.core_type<tc>, window_params = [{transform_indices = @transform_0, window_bounds = array<i64: 512, 128>}, {transform_indices = @transform_1, window_bounds = array<i64: 512, 128>}, {transform_indices = @transform_2, window_bounds = array<i64: 512, 128>}, {transform_indices = @transform_3, window_bounds = array<i64: 512, 128>}, {transform_indices = @transform_4, window_bounds = array<i64: 512, 16>}]} {
    %get3A = arith.constant 0 : index
    %get3A_0 = arith.constant 0 : index
    %get3A_1 = vector.load %arg1[%get3A, %get3A_0] : memref<512x128xf32, #tpu.memory_space<vmem>>, vector<512x128xf32>
    %get3A_2 = arith.constant 0 : index
    %get3A_3 = arith.constant 0 : index
    %get3A_4 = vector.load %arg2[%get3A_2, %get3A_3] : memref<512x128xf32, #tpu.memory_space<vmem>>, vector<512x128xf32>
    %add3A = arith.addf %get3A_1, %get3A_4 : vector<512x128xf32>
    %swap3A = arith.constant 0 : index
    %swap3A_5 = arith.constant 0 : index
    %swap3A_6 = vector.load %arg4[%swap3A, %swap3A_5] : memref<512x128xf32, #tpu.memory_space<vmem>>, vector<512x128xf32>
    tpu.vector_store %arg4[%swap3A, %swap3A_5], %add3A {strides = array<i32>} : memref<512x128xf32, #tpu.memory_space<vmem>>, vector<512x128xf32>,
    %get3A_7 = arith.constant 0 : index
    %get3A_8 = arith.constant 0 : index
    %get3A_9 = vector.load %arg3[%get3A_7, %get3A_8] : memref<512x128xf32, #tpu.memory_space<vmem>>, vector<512x128xf32>
    %mul3A = arith.mulf %get3A_9, %add3A : vector<512x128xf32>
    %iota3A = tpu.iota {dimensions = array<i32: 0>} : vector<128x16xi32>
    %iota3A_10 = tpu.iota {dimensions = array<i32: 1>} : vector<128x16xi32>
    %jit3A = arith.constant 8 : i32
    %div3A = vector.broadcast %jit3A : i32 to vector<128x16xi32>
    %div3A_11 = arith.divsi %iota3A, %div3A : vector<128x16xi32>
    %sign3A = arith.constant 0 : i32
    %sign3A_12 = vector.broadcast %sign3A : i32 to vector<128x16xi32>
    %sign3A_13 = arith.cmpi sgt, %iota3A, %sign3A_12 : vector<128x16xi32>
    %sign3A_14 = arith.extui %sign3A_13 : vector<128x16xi1> to vector<128x16xi32>
    %sign3A_15 = arith.constant 0 : i32
    %sign3A_16 = vector.broadcast %sign3A_15 : i32 to vector<128x16xi32>
    %sign3A_17 = arith.cmpi slt, %iota3A, %sign3A_16 : vector<128x16xi32>
    %sign3A_18 = arith.extui %sign3A_17 : vector<128x16xi1> to vector<128x16xi32>
    %sign3A_19 = arith.subi %sign3A_14, %sign3A_18 : vector<128x16xi32>
    %sign3A_20 = arith.constant 0 : i32
    %sign3A_21 = arith.cmpi sgt, %jit3A, %sign3A_20 : i32
    %sign3A_22 = arith.extui %sign3A_21 : i1 to i32
    %sign3A_23 = arith.constant 0 : i32
    %sign3A_24 = arith.cmpi slt, %jit3A, %sign3A_23 : i32
    %sign3A_25 = arith.extui %sign3A_24 : i1 to i32
    %sign3A_26 = arith.subi %sign3A_22, %sign3A_25 : i32
    %ne3A = vector.broadcast %sign3A_26 : i32 to vector<128x16xi32>
    %ne3A_27 = arith.cmpi ne, %sign3A_19, %ne3A : vector<128x16xi32>
    %rem3A = vector.broadcast %jit3A : i32 to vector<128x16xi32>
    %rem3A_28 = arith.remsi %iota3A, %rem3A : vector<128x16xi32>
    %ne3A_29 = arith.constant 0 : i32
    %ne3A_30 = vector.broadcast %ne3A_29 : i32 to vector<128x16xi32>
    %ne3A_31 = arith.cmpi ne, %rem3A_28, %ne3A_30 : vector<128x16xi32>
    %and3A = arith.andi %ne3A_27, %ne3A_31 : vector<128x16xi1>
    %sub3A = arith.constant 1 : i32
    %sub3A_32 = vector.broadcast %sub3A : i32 to vector<128x16xi32>
    %sub3A_33 = arith.subi %div3A_11, %sub3A_32 : vector<128x16xi32>
    %select_n3A = arith.select %and3A, %sub3A_33, %div3A_11 : vector<128x16xi1>, vector<128x16xi32>
    %eq3A = arith.cmpi eq, %select_n3A, %iota3A_10 : vector<128x16xi32>
    %convert_element_type3A = arith.extui %eq3A : vector<128x16xi1> to vector<128x16xi32>
    %convert_element_type3A_34 = arith.sitofp %convert_element_type3A : vector<128x16xi32> to vector<128x16xf32>
    %dot_general3A = arith.constant dense<0.000000e+00> : vector<512x16xf32>
    %dot_general3A_35 = tpu.matmul %mul3A, %convert_element_type3A_34, %dot_general3A {dimension_numbers = #tpu.dot_dimension_numbers<[1], [0], [0], [1], [0, 0, 1, 1], [], []>, transpose_lhs_hint = false} : vector<512x128xf32>, vector<128x16xf32>, vector<512x16xf32> -> vector<512x16xf32>
    %swap3A_36 = arith.constant 0 : index
    %swap3A_37 = arith.constant 0 : index
    %swap3A_38 = vector.load %arg5[%swap3A_36, %swap3A_37] : memref<512x16xf32, #tpu.memory_space<vmem>>, vector<512x16xf32>
    tpu.vector_store %arg5[%swap3A_36, %swap3A_37], %dot_general3A_35 {strides = array<i32>} : memref<512x16xf32, #tpu.memory_space<vmem>>, vector<512x16xf32>,
    return
  }
  func.func @transform_0(%arg0: i32) -> (i32, i32) {
    %c0_i32 = arith.constant 0 : i32
    %c0_i32_0 = arith.constant 0 : i32
    return %arg0, %c0_i32 : i32, i32
  }
  func.func @transform_1(%arg0: i32) -> (i32, i32) {
    %c0_i32 = arith.constant 0 : i32
    %c0_i32_0 = arith.constant 0 : i32
    return %arg0, %c0_i32 : i32, i32
  }
  func.func @transform_2(%arg0: i32) -> (i32, i32) {
    %c0_i32 = arith.constant 0 : i32
    %c0_i32_0 = arith.constant 0 : i32
    return %arg0, %c0_i32 : i32, i32
  }
  func.func @transform_3(%arg0: i32) -> (i32, i32) {
    %c0_i32 = arith.constant 0 : i32
    %c0_i32_0 = arith.constant 0 : i32
    return %arg0, %c0_i32 : i32, i32
  }
  func.func @transform_4(%arg0: i32) -> (i32, i32) {
    %c0_i32 = arith.constant 0 : i32
    %c0_i32_0 = arith.constant 0 : i32
    return %arg0, %c0_i32 : i32, i32
  }
}

module attributes {stable_mosaic.version = 14 : i64} {
  func.func @_dense2_body(%arg0: i32, %arg1: memref<512x128xf32, #tpu.memory_space<vmem>>, %arg2: memref<512x128xf32, #tpu.memory_space<vmem>>, %arg3: memref<512x128xf32, #tpu.memory_space<vmem>>, %arg4: memref<512x16xf32, #tpu.memory_space<vmem>>, %arg5: memref<512x16xf32, #tpu.memory_space<vmem>>) attributes {dimension_semantics = [#tpu.dimension_semantics<arbitrary>], iteration_bounds = array<i64: 8>, scalar_prefetch = 0 : i64, scratch_operands = 0 : i64, tpu.core_type = #tpu.core_type<tc>, window_params = [{transform_indices = @transform_0, window_bounds = array<i64: 512, 128>}, {transform_indices = @transform_1, window_bounds = array<i64: 512, 128>}, {transform_indices = @transform_2, window_bounds = array<i64: 512, 128>}, {transform_indices = @transform_3, window_bounds = array<i64: 512, 16>}, {transform_indices = @transform_4, window_bounds = array<i64: 512, 16>}]} {
    %get3A = arith.constant 0 : index
    %get3A_0 = arith.constant 0 : index
    %get3A_1 = vector.load %arg1[%get3A, %get3A_0] : memref<512x128xf32, #tpu.memory_space<vmem>>, vector<512x128xf32>
    %get3A_2 = arith.constant 0 : index
    %get3A_3 = arith.constant 0 : index
    %get3A_4 = vector.load %arg2[%get3A_2, %get3A_3] : memref<512x128xf32, #tpu.memory_space<vmem>>, vector<512x128xf32>
    %add3A = arith.addf %get3A_1, %get3A_4 : vector<512x128xf32>
    %get3A_5 = arith.constant 0 : index
    %get3A_6 = arith.constant 0 : index
    %get3A_7 = vector.load %arg3[%get3A_5, %get3A_6] : memref<512x128xf32, #tpu.memory_space<vmem>>, vector<512x128xf32>
    %mul3A = arith.mulf %add3A, %get3A_7 : vector<512x128xf32>
    %get3A_8 = arith.constant 0 : index
    %get3A_9 = arith.constant 0 : index
    %get3A_10 = vector.load %arg4[%get3A_8, %get3A_9] : memref<512x16xf32, #tpu.memory_space<vmem>>, vector<512x16xf32>
    %iota3A = tpu.iota {dimensions = array<i32: 0>} : vector<128x16xi32>
    %iota3A_11 = tpu.iota {dimensions = array<i32: 1>} : vector<128x16xi32>
    %jit3A = arith.constant 8 : i32
    %div3A = vector.broadcast %jit3A : i32 to vector<128x16xi32>
    %div3A_12 = arith.divsi %iota3A, %div3A : vector<128x16xi32>
    %sign3A = arith.constant 0 : i32
    %sign3A_13 = vector.broadcast %sign3A : i32 to vector<128x16xi32>
    %sign3A_14 = arith.cmpi sgt, %iota3A, %sign3A_13 : vector<128x16xi32>
    %sign3A_15 = arith.extui %sign3A_14 : vector<128x16xi1> to vector<128x16xi32>
    %sign3A_16 = arith.constant 0 : i32
    %sign3A_17 = vector.broadcast %sign3A_16 : i32 to vector<128x16xi32>
    %sign3A_18 = arith.cmpi slt, %iota3A, %sign3A_17 : vector<128x16xi32>
    %sign3A_19 = arith.extui %sign3A_18 : vector<128x16xi1> to vector<128x16xi32>
    %sign3A_20 = arith.subi %sign3A_15, %sign3A_19 : vector<128x16xi32>
    %sign3A_21 = arith.constant 0 : i32
    %sign3A_22 = arith.cmpi sgt, %jit3A, %sign3A_21 : i32
    %sign3A_23 = arith.extui %sign3A_22 : i1 to i32
    %sign3A_24 = arith.constant 0 : i32
    %sign3A_25 = arith.cmpi slt, %jit3A, %sign3A_24 : i32
    %sign3A_26 = arith.extui %sign3A_25 : i1 to i32
    %sign3A_27 = arith.subi %sign3A_23, %sign3A_26 : i32
    %ne3A = vector.broadcast %sign3A_27 : i32 to vector<128x16xi32>
    %ne3A_28 = arith.cmpi ne, %sign3A_20, %ne3A : vector<128x16xi32>
    %rem3A = vector.broadcast %jit3A : i32 to vector<128x16xi32>
    %rem3A_29 = arith.remsi %iota3A, %rem3A : vector<128x16xi32>
    %ne3A_30 = arith.constant 0 : i32
    %ne3A_31 = vector.broadcast %ne3A_30 : i32 to vector<128x16xi32>
    %ne3A_32 = arith.cmpi ne, %rem3A_29, %ne3A_31 : vector<128x16xi32>
    %and3A = arith.andi %ne3A_28, %ne3A_32 : vector<128x16xi1>
    %sub3A = arith.constant 1 : i32
    %sub3A_33 = vector.broadcast %sub3A : i32 to vector<128x16xi32>
    %sub3A_34 = arith.subi %div3A_12, %sub3A_33 : vector<128x16xi32>
    %select_n3A = arith.select %and3A, %sub3A_34, %div3A_12 : vector<128x16xi1>, vector<128x16xi32>
    %eq3A = arith.cmpi eq, %select_n3A, %iota3A_11 : vector<128x16xi32>
    %convert_element_type3A = arith.extui %eq3A : vector<128x16xi1> to vector<128x16xi32>
    %convert_element_type3A_35 = arith.sitofp %convert_element_type3A : vector<128x16xi32> to vector<128x16xf32>
    %dot_general3A = arith.constant dense<0.000000e+00> : vector<512x16xf32>
    %dot_general3A_36 = tpu.matmul %mul3A, %convert_element_type3A_35, %dot_general3A {dimension_numbers = #tpu.dot_dimension_numbers<[1], [0], [0], [1], [0, 0, 1, 1], [], []>, transpose_lhs_hint = false} : vector<512x128xf32>, vector<128x16xf32>, vector<512x16xf32> -> vector<512x16xf32>
    %add3A_37 = arith.addf %get3A_10, %dot_general3A_36 : vector<512x16xf32>
    %swap3A = arith.constant 0 : index
    %swap3A_38 = arith.constant 0 : index
    %swap3A_39 = vector.load %arg5[%swap3A, %swap3A_38] : memref<512x16xf32, #tpu.memory_space<vmem>>, vector<512x16xf32>
    tpu.vector_store %arg5[%swap3A, %swap3A_38], %add3A_37 {strides = array<i32>} : memref<512x16xf32, #tpu.memory_space<vmem>>, vector<512x16xf32>,
    return
  }
  func.func @transform_0(%arg0: i32) -> (i32, i32) {
    %c0_i32 = arith.constant 0 : i32
    %c0_i32_0 = arith.constant 0 : i32
    return %arg0, %c0_i32 : i32, i32
  }
  func.func @transform_1(%arg0: i32) -> (i32, i32) {
    %c0_i32 = arith.constant 0 : i32
    %c0_i32_0 = arith.constant 0 : i32
    return %arg0, %c0_i32 : i32, i32
  }
  func.func @transform_2(%arg0: i32) -> (i32, i32) {
    %c0_i32 = arith.constant 0 : i32
    %c0_i32_0 = arith.constant 0 : i32
    return %arg0, %c0_i32 : i32, i32
  }
  func.func @transform_3(%arg0: i32) -> (i32, i32) {
    %c0_i32 = arith.constant 0 : i32
    %c0_i32_0 = arith.constant 0 : i32
    return %arg0, %c0_i32 : i32, i32
  }
  func.func @transform_4(%arg0: i32) -> (i32, i32) {
    %c0_i32 = arith.constant 0 : i32
    %c0_i32_0 = arith.constant 0 : i32
    return %arg0, %c0_i32 : i32, i32
  }
}

</mosaic_0001>

<sc_bundles>
// kernel: kernel.6.cloned.1.call-start
scs
__scs_entry_jumppad:
0x0: {  	(pc) =	sbr.rel $0x88, $3  }
0x1: {  	(tag) =	ssettag $0x0;
	lr =	simm.s32 $0x1  }
0x2: {  	[smem:$0x3F9B] =	sst lr;
	_ =	strace $0xD0000000  }
0x3: {  	_ = 	snop  }
0x4: {  	_ = 	snop  }
0x5: {  	_ = 	snop  }
0x6: {  	_ = 	snop  }
0x7: {  	_ = 	snop  }
__scs_overlays_trampoline_lowered:
0x8: {  	[smem:$0x3FAA] =	sst s0  }
0x9: {  	[smem:$0x3FAB] =	sst s1  }
0xa: {  	[smem:$0x3FAC] =	sst s2  }
0xb: {  	[smem:$0x3FAD] =	sst s3  }
0xc: {  	[smem:$0x3FAE] =	sst s4  }
0xd: {  	[smem:$0x3FAF] =	sst s5  }
0xe: {  	[smem:$0x3FB0] =	sst s6  }
0xf: {  	[smem:$0x3FB1] =	sst s7  }
0x10: {  	[smem:$0x3FB2] =	sst s8  }
0x11: {  	[smem:$0x3FB3] =	sst s9;
	s0 =	simm.s32 @!p0 $0x0  }
0x12: {  	s1 =	sld [smem:$0x3F99];
	s0 =	simm.s32 @p0 $0x1  }
0x13: {  	[smem:$0x3FB4] =	sst s0;
	s0 =	simm.s32 @!p1 $0x0  }
0x14: {  	s2 =	sld [smem:$0x3F98];
	s0 =	simm.s32 @p1 $0x1  }
0x15: {  	[smem:$0x3FB5] =	sst s0;
	s0 =	simm.s32 @!p2 $0x0  }
0x16: {  	s3 =	sld [smem:$0x3FDB];
	s0 =	simm.s32 @p2 $0x1  }
0x17: {  	s4 =	simm.s32 $0x1BF5;
	[smem:$0x3FB7] =	sst s0  }
0x18: {  	s0 =	sld [smem:$0x3F9A];
	_ =	swait.ge [sflag:s4], $0x0  }
0x19: {  	s7 =	sld [smem:$0x3F9B]  }
0x1a: {  	s8 =	sadd.s32 $0xFFFFE003, lr  }
0x1b: {  	s9 =	sadd.s32 $0xFFFFFEF7, lr;
	s5 =	simm.s32 $0xFFFFFFFF;
	p2 =	slt.u32 s8, $0xFFFFF086  }
0x1c: {  	p1 =	slt.u32 s9, $0xF7A;
	s5 =	simm.s32 @!p2 $0x0  }
0x1d: {  	s5 =	simm.s32 @p1 $0x1;
	p0 =	seq.s32 s7, s2  }
0x1e: {  	s7 =	smul.u32 @!p0 $0xF7A, s2;
	p2 =	seq.s32 @!p0 s5, $0x0  }
0x1f: {  	s9 =	smul.u32 $0xF7A, s1;
	s8 =	simm.s32 @!p0 $0x1BF5;
	p2 =	por !p2, p0  }
0x20: {  	[sflag:s8] =	ssyncset.s32 @!p0 $0xFFFFF086;
	s6 =	sadd.s32 @!p0 s3, s7;
	s7 =	simm.s32 @!p0 $0x108  }
0x21: {  	s3 =	sadd.s32 s3, s9;
	s6 =	sadd.s32 @!p0 $0x88, s6;
	s7 =	simm.s32 @p2 $0x1082  }
0x22: {  	[simem:s7], [sflag:s8] =	dma.local @!p0 [hbm:s6], $0xF7A  }
0x23: {  	s9 =	sor.u32 $0xD0000000, s2;
	s6 =	simm.s32 $0x108;
	_ =	swait.ge @!p0 [sflag:s8], $0x0  }
0x24: {  	s3 =	sadd.s32 $0x88, s3;
	s6 =	simm.s32 @!p1 $0x1082;
	[sflag:s4] =	ssyncset.s32 $0xFFFFF086  }
0x25: {  	[simem:s6], [sflag:s4] =	dma.local [hbm:s3], $0xF7A  }
0x26: {  	[smem:$0x3F9B] =	sst s1;
	(tag) =	ssettag s2;
	_ =	strace s9  }
0x27: {  	s1 =	sld [smem:$0x3FAB]  }
0x28: {  	s2 =	sld [smem:$0x3FAC]  }
0x29: {  	s4 =	sld [smem:$0x3FAE]  }
0x2a: {  	p0 =	seq.s32 s5, $0x0;
	s5 =	sld [smem:$0x3FAF]  }
0x2b: {  	s6 =	sld [smem:$0x3FB0]  }
0x2c: {  	s7 =	sld [smem:$0x3FB1]  }
0x2d: {  	s3 =	simm.s32 $0x108;
	s8 =	sld [smem:$0x3FB2]  }
0x2e: {  	s3 =	simm.s32 @!p0 $0x1082;
	s9 =	sld [smem:$0x3FB3]  }
0x2f: {  	lr =	sadd.s32 s0, s3;
	s0 =	sld [smem:$0x3FAA]  }
0x30: {  	s3 =	sld [smem:$0x3FAD]  }
0x31: {  	[smem:$0x3FB6] =	sst s10  }
0x32: {  	s10 =	sld [smem:$0x3FB4];
	_ =	sdelay $0x3  }
0x33: {  	p0 =	seq.s32 s10, $0x1;
	s10 =	sld [smem:$0x3FB6];
	_ =	sdelay $0x3  }
0x34: {  	[smem:$0x3FB6] =	sst s10  }
0x35: {  	s10 =	sld [smem:$0x3FB5];
	_ =	sdelay $0x3  }
0x36: {  	p1 =	seq.s32 s10, $0x1;
	s10 =	sld [smem:$0x3FB6];
	_ =	sdelay $0x3  }
0x37: {  	[smem:$0x3FB6] =	sst s10  }
0x38: {  	s10 =	sld [smem:$0x3FB7]  }
0x39: {  	_ = 	snop;
	(pc) =	sbr.ind lr, $3  }
0x3a: {  	_ = 	snop  }
0x3b: {  	_ = 	snop  }
0x3c: {  	p2 =	seq.s32 s10, $0x1;
	s10 =	sld [smem:$0x3FB6]  }
0x3d: {  	_ =	shalt  }
0x3e: {  	_ =	shalt  }
0x3f: {  	_ =	shalt  }
0x40: {  	_ =	shalt  }
0x41: {  	_ =	shalt  }
0x42: {  	_ =	shalt  }
0x43: {  	_ =	shalt  }
0x44: {  	_ =	shalt  }
0x45: {  	_ =	shalt  }
0x46: {  	_ =	shalt  }
0x47: {  	_ =	shalt  }
0x48: {  	_ =	shalt  }
0x49: {  	_ =	shalt  }
0x4a: {  	_ =	shalt  }
0x4b: {  	_ =	shalt  }
0x4c: {  	_ =	shalt  }
0x4d: {  	_ =	shalt  }
0x4e: {  	_ =	shalt  }
0x4f: {  	_ =	shalt  }
0x50: {  	_ =	shalt  }
0x51: {  	_ =	shalt  }
0x52: {  	_ =	shalt  }
0x53: {  	_ =	shalt  }
0x54: {  	_ =	shalt  }
0x55: {  	_ =	shalt  }
0x56: {  	_ =	shalt  }
0x57: {  	_ =	shalt  }
0x58: {  	_ =	shalt  }
0x59: {  	_ =	shalt  }
0x5a: {  	_ =	shalt  }
0x5b: {  	_ =	shalt  }
0x5c: {  	_ =	shalt  }
0x5d: {  	_ =	shalt  }
0x5e: {  	_ =	shalt  }
0x5f: {  	_ =	shalt  }
0x60: {  	_ =	shalt  }
0x61: {  	_ =	shalt  }
0x62: {  	_ =	shalt  }
0x63: {  	_ =	shalt  }
0x64: {  	_ =	shalt  }
0x65: {  	_ =	shalt  }
0x66: {  	_ =	shalt  }
0x67: {  	_ =	shalt  }
0x68: {  	_ =	shalt  }
0x69: {  	_ =	shalt  }
0x6a: {  	_ =	shalt  }
0x6b: {  	_ =	shalt  }
0x6c: {  	_ =	shalt  }
0x6d: {  	_ =	shalt  }
0x6e: {  	_ =	shalt  }
0x6f: {  	_ =	shalt  }
0x70: {  	_ =	shalt  }
0x71: {  	_ =	shalt  }
0x72: {  	_ =	shalt  }
0x73: {  	_ =	shalt  }
0x74: {  	_ =	shalt  }
0x75: {  	_ =	shalt  }
0x76: {  	_ =	shalt  }
0x77: {  	_ =	shalt  }
0x78: {  	_ =	shalt  }
0x79: {  	_ =	shalt  }
0x7a: {  	_ =	shalt  }
0x7b: {  	_ =	shalt  }
0x7c: {  	_ =	shalt  }
0x7d: {  	_ =	shalt  }
0x7e: {  	_ =	shalt  }
0x7f: {  	_ =	shalt  }
0x80: {  	_ =	shalt  }
0x81: {  	_ =	shalt  }
0x82: {  	_ =	shalt  }
0x83: {  	_ =	shalt  }
0x84: {  	_ =	shalt  }
0x85: {  	_ =	shalt  }
0x86: {  	_ =	shalt  }
0x87: {  	_ =	shalt  }
.Lfunc_end0:
.L_simem_size_0:
called_computation_lowered:
.L_overlay_start_0:
0x88: {  	s2 =	sld [smem:$0x3FD9]  }
0x89: {  	s3 =	sld [smem:$0x3FFE];
	_ =	sdelay $0x1  }
0x8a: {  	s1 =	srdreg.scid  }
0x8b: {  	s0 =	sand.u32 $0x1, s1  }
0x8c: {  	s17 =	sshll.u32 s0, $0xA;
	s2 =	sadd.s32 s3, s2  }
0x8d: {  	s2 =	sadd.s32 s2, s17  }
0x8e: {  	[smem:$0x3FC2] =	sst s2  }
0x8f: {  	_ = 	snop  }
0x90: {  	s2 =	sld [smem:$0x3FC6];
	(tm) =	ssettm $0x1  }
0x91: {  	s18 =	sld [smem:$0x3FFB];
	_ =	sdelay $0x3  }
0x92: {  	_ =	strace s18  }
0x93: {  	s3 =	sld [smem:$0x3FFC];
	_ =	sdelay $0x3  }
0x94: {  	_ =	strace s3  }
0x95: {  	s3 =	sld [smem:$0x3FFD];
	_ =	sdelay $0x3  }
0x96: {  	_ =	strace s3  }
0x97: {  	_ =	strace $0x8FFFFFFF  }
0x98: {  	s19 =	sld [smem:$0x3FDB];
	_ =	sdelay $0x1  }
0x99: {  	s4 =	simm.s32 $_scs_section_size  }
0x9a: {  	s5 =	simm.s32 $_size__tile_overlayer_lowered;
	s6 =	simm.s32 $_tile_overlayer_lowered  }
0x9b: {  	s22 =	simm.s32 $0x1BFF;
	s21 =	sshll.u32 s6, $0x1;
	s3 =	sadd.s32 s4, s19  }
0x9c: {  	s7 =	simm.s32 $0x0;
	s20 =	sshll.u32 s5, $0x1;
	s5 =	sadd.s32 s21, s3  }
0x9d: {  	[timem:s7], [sflag:s22] =	dma.local [hbm:s5], s20  }
0x9e: {  	_ =	swait.ge [sflag:s22], s20  }
0x9f: {  	s4 =	ssub.s32 $0x0, s20;
	[sflag:s22] =	ssyncset.done $0x0  }
0xa0: {  	[sflag:s22] =	ssyncadd.s32 s4;
	_ =	sdelay $0x1  }
0xa1: {  	s23 =	simm.s32 $0x1B8B  }
0xa2: {  	_ =	swait.ge [sflag:s23], $0x1  }
0xa3: {  	[sflag:s23] =	ssyncset.done $0x0  }
0xa4: {  	s25 =	simm.s32 $0x1B8E;
	s24 =	sld [smem:$0x3FFE];
	[sflag:s23] =	ssyncadd.s32 $0xFFFFFFFF  }
0xa5: {  	s26 =	simm.s32 $execute0_lowered;
	[smem:$0x3FD2] =	sst s25  }
0xa6: {  	s5 =	sshll.u32 s26, $0x1;
	_ =	strace $0x80000046;
	[dreg:$0x1] =	wrdreg $0xFFFFFFFF  }
0xa7: {  	s28 =	simm.s32 $_size_execute0_lowered;
	s3 =	sadd.s32 s3, s5;
	[dreg:$0x0] =	wrdreg $0x0  }
0xa8: {  	s5 =	sshll.u32 s28, $0x1;
	[dreg:$0x2] =	wrdreg s3  }
0xa9: {  	[dreg:$0x3] =	wrdreg s5  }
0xaa: {  	[dreg:$0x4] =	wrdreg $0xC0  }
0xab: {  	_ =	task [dreg:s7], $0x5FFFF  }
0xac: {  	[dreg:$0x1] =	wrdreg $0xFFFFFFFF  }
0xad: {  	[dreg:$0x0] =	wrdreg $0x60  }
0xae: {  	[dreg:$0x2] =	wrdreg s24  }
0xaf: {  	[dreg:$0x3] =	wrdreg s2  }
0xb0: {  	[dreg:$0x4] =	wrdreg $0x0  }
0xb1: {  	[dreg:$0x5] =	wrdreg $0x80000  }
0xb2: {  	[dreg:$0x6] =	wrdreg $0x9  }
0xb3: {  	_ =	task.clear_ibuf [dreg:s7], $0x7FFFF;
	_ =	strace $0x90000046  }
0xb4: {  	s29 =	simm.s32 $0x9;
	_ =	strace $0x80000048  }
0xb5: {  	_ =	swait.ge [sflag:s29], $0x1  }
0xb6: {  	[sflag:s29] =	ssyncadd.s32 $0xFFFFFFFF  }
0xb7: {  	_ =	strace $0x90000048  }
0xb8: {  	_ =	sfence  }
0xb9: {  	s30 =	sld [smem:$0x0];
	_ =	sdelay $0x2  }
0xba: {  	s31 =	sshll.u32 s1, $0xD;
	s1 =	sshrl.u32 s1, $0x2  }
0xbb: {  	s3 =	sand.u32 $0x4000, s31;
	s1 =	sadd.s32 s1, s30  }
0xbc: {  	s0 =	sor.u32 s3, s0;
	s1 =	sshll.u32 s1, $0x11  }
0xbd: {  	s0 =	sor.u32 s1, s0  }
0xbe: {  	s0 =	sadd.s32 $0x8F2B, s0  }
0xbf: {  	[sflag:s0] =	ssyncadd.remote.s32 $0x1  }
0xc0: {  	_ =	sfence.sel $0xFFFF  }
0xc1: {  	[dreg:$0x0] =	wrdreg $0xFFFFFFFF;
	(pc) =	sbr.abs _section_cstart, $3  }
0xc2: {  	[dreg:$0x1] =	wrdreg $0xFFFFFFFF  }
0xc3: {  	_ =	task.clear_ibuf [dreg:s7], $0x2FFFF;
	_ =	strace $0x9FFFFFFF  }
0xc4: {  	(tm) =	ssettm $0x7FFFFFFF  }
0xc5: {  	_ =	shalt  }
tec
execute0_lowered:
.L_overlay_start_1:
0x0: {  	(tag) =	ssettag $0x1  }
0x1: {  	s0 =	rddreg [dreg:$0x0]  }
0x2: {  	s1 =	rddreg [dreg:$0x1]  }
0x3: {  	s2 =	rddreg [dreg:$0x2]  }
0x4: {  	s3 =	rddreg [dreg:$0x3];
	s4 =	simm.s32 $0x0;
	s5 =	srdreg.scid  }
0x5: {  	s14 =	stileid.u32;
	s28 =	simm.s32 $0x10000;
	s29 =	simm.s32 $0x11000  }
0x6: {  	s30 =	simm.s32 $0x12000;
	s31 =	simm.s32 $0x1;
	[smem:$0x7FF] =	sst s4  }
0x7: {  	s6 =	sadd.s32 $0x41200, s0;
	s7 =	sadd.s32 $0x1200, s0;
	s5 =	sand.u32 $0x1, s5  }
0x8: {  	s8 =	sshll.u32 s14, $0xC;
	s9 =	sshll.u32 s14, $0xF;
	s15 =	sshll.u32 s14, $0x10  }
0x9: {  	s14 =	simm.s32 $0x4;
	_ =	strace $0x80000047;
	s10 =	sshll.u32 s5, $0x13  }
0xa: {  	s11 =	sadd.s32 s8, s0;
	s23 =	ssub.s32 $0x2, s5;
	s20 =	sadd.s32 s9, s2  }
0xb: {  	s5 =	sshll.u32 s5, $0x14;
	s18 =	sadd.s32 s9, s3;
	s22 =	sor.u32 s9, s10  }
0xc: {  	s13 =	sshrl.u32 s23, $0x1;
	s24 =	sadd.s32 $0x1000, s20;
	[dreg:$0x5] =	wrdreg s20  }
0xd: {  	s25 =	sadd.s32 $0x2000, s20;
	s26 =	sadd.s32 $0x3000, s20;
	[dreg:$0x6] =	wrdreg s24  }
0xe: {  	s16 =	sadd.s32 $0x6000, s20;
	s17 =	sadd.s32 $0x7000, s20;
	[dreg:$0x7] =	wrdreg s25  }
0xf: {  	s19 =	sadd.s32 $0x181200, s11;
	s9 =	simm.s32 $0x15000;
	[dreg:$0x8] =	wrdreg s26  }
0x10: {  	s11 =	simm.s32 $0x17000;
	s12 =	sshrl.u32 s22, $0x3;
	[dreg:$0xb] =	wrdreg s16  }
0x11: {  	s10 =	ssub.s32 s23, s13;
	s13 =	sadd.s32 $0x5000, s20;
	[dreg:$0xc] =	wrdreg s17  }
0x12: {  	s16 =	sor.u32 s15, s5;
	[dreg:$0xd] =	wrdreg s19;
	s26 =	sshrl.u32 s18, $0x3  }
0x13: {  	s5 =	simm.s32 $0x14000;
	s15 =	simm.s32 $0x18000;
	s18 =	simm.s32 $0x0  }
0x14: {  	s0 =	sadd.s32 s12, s0;
	s12 =	sadd.s32 $0x4000, s20;
	[dreg:$0xa] =	wrdreg s13  }
0x15: {  	s21 =	sshrl.u32 s16, $0x3;
	s25 =	smax.u32 s10, $0x1;
	[dreg:$0x13] =	wrdreg s26  }
0x16: {  	s26 =	simm.s32 $0x6;
	s10 =	simm.s32 $0x1000;
	[dreg:$0x9] =	wrdreg s12  }
.Ltmp0:
0x17: {  	s22 =	sadd.s32 s6, s21;
	[dreg:$0x12] =	wrdreg s25;
	(pc) =	sbr.rel .LBB2_1-.Ltmp0, $4  }
0x18: {  	s13 =	simm.s32 $0x2;
	s23 =	sadd.s32 s7, s21;
	[dreg:$0xe] =	wrdreg s22  }
0x19: {  	s24 =	sadd.s32 s1, s21;
	s21 =	sor.u32 $0x2000, s16;
	[dreg:$0xf] =	wrdreg s23  }
0x1a: {  	s0 =	sadd.s32 $0x81200, s0;
	s12 =	simm.s32 $0x3;
	[dreg:$0x10] =	wrdreg s24  }
0x1b: {  	v0 =	vimm.f32 $0.0e+00;
	[dreg:$0x11] =	wrdreg s0;
	s24 =	simm.s32 $0x16000;
	s0 =	simm.s32 $0x13000  }
.LBB2_10:
0x1c: {  	[spmem:s2] =	stream.indirect.scatter.add.f32 [tilespmem:s15], [sflag:$0x5], $0x1, s5, s10, $0xb8;
	[tilespmem:$0x19000] =	vst v63  }
0x1d: {  	s8 =	simm.s32 $0x5  }
0x1e: {  	_ =	swait.ge [sflag:s8], $0x1000  }
0x1f: {  	[sflag:s8] =	ssyncset.done $0x0  }
0x20: {  	[sflag:s8] =	ssyncadd.s32 $0xFFFFF000  }
0x21: {  	[bflag:$0x0] =	sbarrier.arrive $0xFFFF  }
0x22: {  	s20 =	rddreg [dreg:$0x5]  }
0x23: {  	s17 =	rddreg [dreg:$0x11];
	s23 =	sshrl.u32 s20, $0x3  }
0x24: {  	[hbm:s17], [sflag:s19] =	dma.local [spmem:s23], $0x1000  }
0x25: {  	_ =	swait.ge [sflag:s26], $0x1000  }
0x26: {  	s18 =	sadd.s32 $0x1, s18;
	s25 =	rddreg [dreg:$0x12]  }
0x27: {  	p0 =	sne.s32 s18, s25  }
.Ltmp1:
0x28: {  	_ = 	snop;
	(pc) =	sbr.rel @!p0 .LBB2_11-.Ltmp1, $3  }
0x29: {  	_ =	sdelay $0x1  }
0x2a: {  	[sflag:s26] =	ssyncset.done $0x0  }
0x2b: {  	[sflag:s26] =	ssyncadd.s32 $0xFFFFF000  }
.LBB2_1:
0x2c: {  	s17 =	simm.s32 $0x40;
	s19 =	simm.s32 $0x0  }
.LBB2_2:
0x2d: {  	p0 =	sne.s32 s17, $0x3FC0;
	[tilespmem:s19+$0x16000] =	vst v0;
	s19 =	smov.u32 s17;
	s17 =	sadd.s32 $0x40, s17  }
.Ltmp2:
0x2e: {  	(pc) =	sbr.rel @p0 .LBB2_2-.Ltmp2, $2  }
0x2f: {  	_ =	sdelay $0x2  }
0x30: {  	s19 =	sshra.s32 s19, $0x2  }
0x31: {  	[tilespmem:s19+$0x16000] =	vst v0  }
0x32: {  	[spmem:s20] =	stream.linear.scatter [tilespmem:s24], [sflag:$0x6], $0x1000, $0x38;
	[tilespmem:$0x19000] =	vst v63  }
0x33: {  	_ =	swait.ge [sflag:s26], $0x1000  }
0x34: {  	[sflag:s26] =	ssyncset.done $0x0  }
0x35: {  	s8 =	rddreg [dreg:$0x6];
	[sflag:s26] =	ssyncadd.s32 $0xFFFFF000  }
0x36: {  	[spmem:s8] =	stream.linear.scatter [tilespmem:s24], [sflag:$0x6], $0x1000, $0x38;
	[tilespmem:$0x19000] =	vst v63  }
0x37: {  	_ =	swait.ge [sflag:s26], $0x1000  }
0x38: {  	[sflag:s26] =	ssyncset.done $0x0  }
0x39: {  	s25 =	rddreg [dreg:$0x7];
	[sflag:s26] =	ssyncadd.s32 $0xFFFFF000  }
0x3a: {  	[spmem:s25] =	stream.linear.scatter [tilespmem:s24], [sflag:$0x6], $0x1000, $0x38;
	[tilespmem:$0x19000] =	vst v63  }
0x3b: {  	_ =	swait.ge [sflag:s26], $0x1000  }
0x3c: {  	[sflag:s26] =	ssyncset.done $0x0  }
0x3d: {  	s17 =	rddreg [dreg:$0x8];
	[sflag:s26] =	ssyncadd.s32 $0xFFFFF000  }
0x3e: {  	[spmem:s17] =	stream.linear.scatter [tilespmem:s24], [sflag:$0x6], $0x1000, $0x38;
	[tilespmem:$0x19000] =	vst v63  }
0x3f: {  	_ =	swait.ge [sflag:s26], $0x1000  }
0x40: {  	[sflag:s26] =	ssyncset.done $0x0  }
0x41: {  	s19 =	rddreg [dreg:$0x9];
	[sflag:s26] =	ssyncadd.s32 $0xFFFFF000  }
0x42: {  	[spmem:s19] =	stream.linear.scatter [tilespmem:s24], [sflag:$0x6], $0x1000, $0x38;
	[tilespmem:$0x19000] =	vst v63  }
0x43: {  	_ =	swait.ge [sflag:s26], $0x1000  }
0x44: {  	[sflag:s26] =	ssyncset.done $0x0  }
0x45: {  	s20 =	rddreg [dreg:$0xa];
	[sflag:s26] =	ssyncadd.s32 $0xFFFFF000  }
0x46: {  	[spmem:s20] =	stream.linear.scatter [tilespmem:s24], [sflag:$0x6], $0x1000, $0x38;
	[tilespmem:$0x19000] =	vst v63  }
0x47: {  	_ =	swait.ge [sflag:s26], $0x1000  }
0x48: {  	[sflag:s26] =	ssyncset.done $0x0  }
0x49: {  	s22 =	rddreg [dreg:$0xb];
	[sflag:s26] =	ssyncadd.s32 $0xFFFFF000  }
0x4a: {  	[spmem:s22] =	stream.linear.scatter [tilespmem:s24], [sflag:$0x6], $0x1000, $0x38;
	[tilespmem:$0x19000] =	vst v63  }
0x4b: {  	_ =	swait.ge [sflag:s26], $0x1000  }
0x4c: {  	[sflag:s26] =	ssyncset.done $0x0  }
0x4d: {  	s25 =	stileid.u32;
	s23 =	rddreg [dreg:$0xc];
	[sflag:s26] =	ssyncadd.s32 $0xFFFFF000  }
0x4e: {  	[spmem:s23] =	stream.linear.scatter [tilespmem:s24], [sflag:$0x6], $0x1000, $0x38;
	[tilespmem:$0x19000] =	vst v63  }
0x4f: {  	s17 =	sshll.u32 s25, $0x6;
	_ =	swait.ge [sflag:s26], $0x1000  }
0x50: {  	s19 =	sor.u32 $0x1C06, s17;
	[sflag:s26] =	ssyncset.done $0x0;
	s17 =	rddreg [dreg:$0xd]  }
0x51: {  	s20 =	rddreg [dreg:$0x13];
	[sflag:s26] =	ssyncadd.s32 $0xFFFFF000  }
0x52: {  	[spmem:s20], [sflag:s19] =	dma.local [hbm:s17], $0x1000  }
0x53: {  	_ =	swait.ge [sflag:s26], $0x1000  }
0x54: {  	[sflag:s26] =	ssyncset.done $0x0  }
0x55: {  	[sflag:s26] =	ssyncadd.s32 $0xFFFFF000  }
0x56: {  	[bflag:$0x0] =	sbarrier.arrive $0xFFFF  }
0x57: {  	s20 =	simm.s32 $0x0;
	s22 =	rddreg [dreg:$0xe]  }
0x58: {  	[tilespmem:s28], [sflag:$0x1] =	stream.linear.gather [hbm4b:s22+s20], $0x1000, $0x38;
	[tilespmem:$0x19000] =	vst v63  }
0x59: {  	s23 =	rddreg [dreg:$0xf]  }
0x5a: {  	[tilespmem:s29], [sflag:$0x1] =	stream.linear.gather [hbm4b:s23+s20], $0x1000, $0x38;
	[tilespmem:$0x19000] =	vst v63  }
0x5b: {  	s25 =	rddreg [dreg:$0x10];
	s22 =	simm.s32 $0x0  }
0x5c: {  	[tilespmem:s30], [sflag:$0x1] =	stream.linear.gather [hbm4b:s25+s20], $0x1000, $0x38;
	[tilespmem:$0x19000] =	vst v63  }
.LBB2_4:
0x5d: {  	_ =	swait.ge [sflag:s31], $0x1000  }
0x5e: {  	[sflag:s31] =	ssyncset.done $0x0  }
0x5f: {  	[sflag:s31] =	ssyncadd.s32 $0xFFFFF000  }
0x60: {  	_ =	swait.ge [sflag:s31], $0x1000  }
0x61: {  	[sflag:s31] =	ssyncset.done $0x0  }
0x62: {  	[sflag:s31] =	ssyncadd.s32 $0xFFFFF000  }
0x63: {  	_ =	swait.ge [sflag:s31], $0x1000  }
0x64: {  	s23 =	sshll.u32 s22, $0xD;
	p0 =	seq.s32 s22, $0x0;
	[sflag:s31] =	ssyncset.done $0x0  }
0x65: {  	s17 =	simm.s32 @!p0 $0x5;
	s25 =	sor.u32 s23, s16;
	[sflag:s31] =	ssyncadd.s32 $0xFFFFF000  }
0x66: {  	s25 =	sshrl.u32 s25, $0x3;
	_ =	swait.ge @!p0 [sflag:s17], $0x1000  }
0x67: {  	s25 =	sor.u32 $0x200, s25;
	[sflag:s17] =	ssyncset.done @!p0 $0x0  }
0x68: {  	s8 =	sadd.s32 s6, s25;
	[sflag:s17] =	ssyncadd.s32 @!p0 $0xFFFFF000  }
0x69: {  	[tilespmem:s0], [sflag:$0x2] =	stream.linear.gather [hbm4b:s8+s20], $0x1000, $0x38;
	[tilespmem:$0x19000] =	vst v63  }
0x6a: {  	s8 =	sadd.s32 s7, s25  }
0x6b: {  	[tilespmem:s5], [sflag:$0x2] =	stream.linear.gather [hbm4b:s8+s20], $0x1000, $0x38;
	[tilespmem:$0x19000] =	vst v63  }
0x6c: {  	s25 =	sadd.s32 s1, s25  }
0x6d: {  	[tilespmem:s9], [sflag:$0x2] =	stream.linear.gather [hbm4b:s25+s20], $0x1000, $0x38;
	[tilespmem:$0x19000] =	vst v63  }
0x6e: {  	_ = 	snop  }
0x6f: {  	[tilespmem:s11], [sflag:$0x3] =	stream.indirect.gather [spmem:s3], $0x1, s28, s10, $0xb8;
	[tilespmem:$0x19000] =	vst v63  }
0x70: {  	_ =	swait.ge [sflag:s12], $0x1000  }
0x71: {  	[sflag:s12] =	ssyncset.done $0x0  }
0x72: {  	s25 =	simm.s32 $0x0;
	[sflag:s12] =	ssyncadd.s32 $0xFFFFF000  }
0x73: {  	v1 =	vld [tilespmem:s25+$0x17000]  }
0x74: {  	s17 =	simm.s32 $0x40;
	v2 =	vld [tilespmem:s25+$0x12000]  }
.LBB2_5:
0x75: {  	_ = 	snop  }
0x76: {  	p0 =	sne.s32 s17, $0x3FC0  }
.Ltmp3:
0x77: {  	_ = 	snop;
	(pc) =	sbr.rel @p0 .LBB2_5-.Ltmp3, $4  }
0x78: {  	_ = 	snop  }
0x79: {  	s8 =	sshra.s32 s17, $0x2;
	v3 =	vmul.f32 v2, v1  }
0x7a: {  	v1 =	vld [tilespmem:s8+$0x17000]  }
0x7b: {  	s17 =	sadd.s32 $0x40, s17;
	v2 =	vld [tilespmem:s8+$0x12000];
	[tilespmem:s25+$0x16000] =	vst v3;
	s25 =	smov.u32 s8  }
0x7c: {  	_ =	sdelay $0x3  }
0x7d: {  	v1 =	vmul.f32 v2, v1;
	_ =	sdelay $0x1  }
0x7e: {  	[tilespmem:s25+$0x16000] =	vst v1  }
0x7f: {  	[spmem:s2] =	stream.indirect.scatter.add.f32 [tilespmem:s24], [sflag:$0x4], $0x1, s29, s10, $0xb8;
	[tilespmem:$0x19000] =	vst v63  }
0x80: {  	_ =	swait.ge [sflag:s13], $0x1000  }
0x81: {  	[sflag:s13] =	ssyncset.done $0x0  }
0x82: {  	[sflag:s13] =	ssyncadd.s32 $0xFFFFF000  }
0x83: {  	_ =	swait.ge [sflag:s13], $0x1000  }
0x84: {  	[sflag:s13] =	ssyncset.done $0x0  }
0x85: {  	[sflag:s13] =	ssyncadd.s32 $0xFFFFF000  }
0x86: {  	_ =	swait.ge [sflag:s13], $0x1000  }
0x87: {  	[sflag:s13] =	ssyncset.done $0x0  }
0x88: {  	[sflag:s13] =	ssyncadd.s32 $0xFFFFF000  }
0x89: {  	[tilespmem:s11], [sflag:$0x3] =	stream.indirect.gather [spmem:s3], $0x1, s0, s10, $0xb8;
	[tilespmem:$0x19000] =	vst v63  }
0x8a: {  	_ =	swait.ge [sflag:s12], $0x1000  }
0x8b: {  	[sflag:s12] =	ssyncset.done $0x0  }
0x8c: {  	s25 =	simm.s32 $0x0;
	[sflag:s12] =	ssyncadd.s32 $0xFFFFF000  }
0x8d: {  	v1 =	vld [tilespmem:s25+$0x17000]  }
0x8e: {  	s17 =	simm.s32 $0x40;
	v2 =	vld [tilespmem:s25+$0x15000]  }
.LBB2_7:
0x8f: {  	_ = 	snop  }
0x90: {  	p0 =	sne.s32 s17, $0x3FC0  }
.Ltmp4:
0x91: {  	_ = 	snop;
	(pc) =	sbr.rel @p0 .LBB2_7-.Ltmp4, $4  }
0x92: {  	_ = 	snop  }
0x93: {  	s8 =	sshra.s32 s17, $0x2;
	v3 =	vmul.f32 v2, v1  }
0x94: {  	v1 =	vld [tilespmem:s8+$0x17000]  }
0x95: {  	s17 =	sadd.s32 $0x40, s17;
	v2 =	vld [tilespmem:s8+$0x15000];
	[tilespmem:s25+$0x18000] =	vst v3;
	s25 =	smov.u32 s8  }
0x96: {  	_ =	sdelay $0x3  }
0x97: {  	p0 =	seq.s32 s22, $0x7;
	v1 =	vmul.f32 v2, v1  }
.Ltmp5:
0x98: {  	_ = 	snop;
	(pc) =	sbr.rel @p0 .LBB2_10-.Ltmp5, $4  }
0x99: {  	[tilespmem:s25+$0x18000] =	vst v1  }
0x9a: {  	_ =	swait.ge [sflag:s14], $0x1000  }
0x9b: {  	[sflag:s14] =	ssyncset.done $0x0  }
0x9c: {  	[sflag:s14] =	ssyncadd.s32 $0xFFFFF000  }
0x9d: {  	s8 =	sadd.s32 s23, s21  }
0x9e: {  	s8 =	sshrl.u32 s8, $0x3  }
0x9f: {  	s17 =	sadd.s32 s6, s8  }
0xa0: {  	[tilespmem:s28], [sflag:$0x1] =	stream.linear.gather [hbm4b:s17+s4], $0x1000, $0x38;
	[tilespmem:$0x19000] =	vst v63  }
0xa1: {  	s25 =	sadd.s32 s7, s8  }
0xa2: {  	[tilespmem:s29], [sflag:$0x1] =	stream.linear.gather [hbm4b:s25+s4], $0x1000, $0x38;
	[tilespmem:$0x19000] =	vst v63  }
.Ltmp6:
0xa3: {  	_ = 	snop;
	(pc) =	sbr.rel .LBB2_4-.Ltmp6, $4  }
0xa4: {  	s8 =	sadd.s32 s1, s8  }
0xa5: {  	[tilespmem:s30], [sflag:$0x1] =	stream.linear.gather [hbm4b:s8+s4], $0x1000, $0x38;
	[tilespmem:$0x19000] =	vst v63  }
0xa6: {  	s22 =	sadd.s32 $0x1, s22  }
0xa7: {  	[spmem:s2] =	stream.indirect.scatter.add.f32 [tilespmem:s15], [sflag:$0x5], $0x1, s5, s10, $0xb8;
	[tilespmem:$0x19000] =	vst v63  }
.LBB2_11:
0xa8: {  	_ =	sfence.sel $0x180000  }
0xa9: {  	[bflag:$0x0] =	sbarrier.arrive $0xFFFF  }
0xaa: {  	_ =	strace $0x90000047  }
0xab: {  	s0 =	stileid.u32;
	[bflag:$0x2] =	sbarrier.arrive $0xFFFF  }
0xac: {  	p0 =	sne.s32 s0, $0x0;
	s0 =	rddreg [dreg:$0x4]  }
0xad: {  	s0 =	sadd.s32 @!p0 $0x100000, s0  }
0xae: {  	[sflag:s0] =	ssyncadd.tile.s32 @!p0 $0x1;
	_ =	shalt  }
.Lfunc_end2:
_tile_overlayer_lowered:
.L_overlay_start_2:
0xaf: {  	(tag) =	ssettag $0x2  }
0xb0: {  	s0 =	rddreg [dreg:$0x0];
	s2 =	stileid.u32  }
0xb1: {  	s1 =	rddreg [dreg:$0x1];
	p0 =	sne.s32 s2, $0x0  }
0xb2: {  	s3 =	rddreg [dreg:$0x2];
	[bflag:$0x3] =	sbarrier.arrive $0xFFFF;
	s2 =	simm.s32 @!p0 $0x1C06  }
0xb3: {  	[timem:s3], [sflag:s2] =	dma.local @!p0 [hbm:s0], s1  }
0xb4: {  	s0 =	simm.s32 @!p0 $0x6  }
0xb5: {  	_ =	swait.ge @!p0 [sflag:s0], s1  }
0xb6: {  	s1 =	ssub.s32 @!p0 $0x0, s1;
	[sflag:s0] =	ssyncset.done @!p0 $0x0  }
0xb7: {  	[sflag:s0] =	ssyncadd.s32 @!p0 s1  }
0xb8: {  	[bflag:$0x3] =	sbarrier.arrive $0xFFFF  }
0xb9: {  	_ =	shalt  }

// kernel: kernel.9.cloned.1.call-start
scs
__scs_entry_jumppad:
0x0: {  	(pc) =	sbr.rel $0x88, $3  }
0x1: {  	(tag) =	ssettag $0x0;
	lr =	simm.s32 $0x1  }
0x2: {  	[smem:$0x3F9B] =	sst lr;
	_ =	strace $0xD0000000  }
0x3: {  	_ = 	snop  }
0x4: {  	_ = 	snop  }
0x5: {  	_ = 	snop  }
0x6: {  	_ = 	snop  }
0x7: {  	_ = 	snop  }
__scs_overlays_trampoline_lowered:
0x8: {  	[smem:$0x3FAA] =	sst s0  }
0x9: {  	[smem:$0x3FAB] =	sst s1  }
0xa: {  	[smem:$0x3FAC] =	sst s2  }
0xb: {  	[smem:$0x3FAD] =	sst s3  }
0xc: {  	[smem:$0x3FAE] =	sst s4  }
0xd: {  	[smem:$0x3FAF] =	sst s5  }
0xe: {  	[smem:$0x3FB0] =	sst s6  }
0xf: {  	[smem:$0x3FB1] =	sst s7  }
0x10: {  	[smem:$0x3FB2] =	sst s8  }
0x11: {  	[smem:$0x3FB3] =	sst s9;
	s0 =	simm.s32 @!p0 $0x0  }
0x12: {  	s1 =	sld [smem:$0x3F99];
	s0 =	simm.s32 @p0 $0x1  }
0x13: {  	[smem:$0x3FB4] =	sst s0;
	s0 =	simm.s32 @!p1 $0x0  }
0x14: {  	s2 =	sld [smem:$0x3F98];
	s0 =	simm.s32 @p1 $0x1  }
0x15: {  	[smem:$0x3FB5] =	sst s0;
	s0 =	simm.s32 @!p2 $0x0  }
0x16: {  	s3 =	sld [smem:$0x3FDB];
	s0 =	simm.s32 @p2 $0x1  }
0x17: {  	s4 =	simm.s32 $0x1BF5;
	[smem:$0x3FB7] =	sst s0  }
0x18: {  	s0 =	sld [smem:$0x3F9A];
	_ =	swait.ge [sflag:s4], $0x0  }
0x19: {  	s7 =	sld [smem:$0x3F9B]  }
0x1a: {  	s8 =	sadd.s32 $0xFFFFE003, lr  }
0x1b: {  	s9 =	sadd.s32 $0xFFFFFEF7, lr;
	s5 =	simm.s32 $0xFFFFFFFF;
	p2 =	slt.u32 s8, $0xFFFFF086  }
0x1c: {  	p1 =	slt.u32 s9, $0xF7A;
	s5 =	simm.s32 @!p2 $0x0  }
0x1d: {  	s5 =	simm.s32 @p1 $0x1;
	p0 =	seq.s32 s7, s2  }
0x1e: {  	s7 =	smul.u32 @!p0 $0xF7A, s2;
	p2 =	seq.s32 @!p0 s5, $0x0  }
0x1f: {  	s9 =	smul.u32 $0xF7A, s1;
	s8 =	simm.s32 @!p0 $0x1BF5;
	p2 =	por !p2, p0  }
0x20: {  	[sflag:s8] =	ssyncset.s32 @!p0 $0xFFFFF086;
	s6 =	sadd.s32 @!p0 s3, s7;
	s7 =	simm.s32 @!p0 $0x108  }
0x21: {  	s3 =	sadd.s32 s3, s9;
	s6 =	sadd.s32 @!p0 $0x88, s6;
	s7 =	simm.s32 @p2 $0x1082  }
0x22: {  	[simem:s7], [sflag:s8] =	dma.local @!p0 [hbm:s6], $0xF7A  }
0x23: {  	s9 =	sor.u32 $0xD0000000, s2;
	s6 =	simm.s32 $0x108;
	_ =	swait.ge @!p0 [sflag:s8], $0x0  }
0x24: {  	s3 =	sadd.s32 $0x88, s3;
	s6 =	simm.s32 @!p1 $0x1082;
	[sflag:s4] =	ssyncset.s32 $0xFFFFF086  }
0x25: {  	[simem:s6], [sflag:s4] =	dma.local [hbm:s3], $0xF7A  }
0x26: {  	[smem:$0x3F9B] =	sst s1;
	(tag) =	ssettag s2;
	_ =	strace s9  }
0x27: {  	s1 =	sld [smem:$0x3FAB]  }
0x28: {  	s2 =	sld [smem:$0x3FAC]  }
0x29: {  	s4 =	sld [smem:$0x3FAE]  }
0x2a: {  	p0 =	seq.s32 s5, $0x0;
	s5 =	sld [smem:$0x3FAF]  }
0x2b: {  	s6 =	sld [smem:$0x3FB0]  }
0x2c: {  	s7 =	sld [smem:$0x3FB1]  }
0x2d: {  	s3 =	simm.s32 $0x108;
	s8 =	sld [smem:$0x3FB2]  }
0x2e: {  	s3 =	simm.s32 @!p0 $0x1082;
	s9 =	sld [smem:$0x3FB3]  }
0x2f: {  	lr =	sadd.s32 s0, s3;
	s0 =	sld [smem:$0x3FAA]  }
0x30: {  	s3 =	sld [smem:$0x3FAD]  }
0x31: {  	[smem:$0x3FB6] =	sst s10  }
0x32: {  	s10 =	sld [smem:$0x3FB4];
	_ =	sdelay $0x3  }
0x33: {  	p0 =	seq.s32 s10, $0x1;
	s10 =	sld [smem:$0x3FB6];
	_ =	sdelay $0x3  }
0x34: {  	[smem:$0x3FB6] =	sst s10  }
0x35: {  	s10 =	sld [smem:$0x3FB5];
	_ =	sdelay $0x3  }
0x36: {  	p1 =	seq.s32 s10, $0x1;
	s10 =	sld [smem:$0x3FB6];
	_ =	sdelay $0x3  }
0x37: {  	[smem:$0x3FB6] =	sst s10  }
0x38: {  	s10 =	sld [smem:$0x3FB7]  }
0x39: {  	_ = 	snop;
	(pc) =	sbr.ind lr, $3  }
0x3a: {  	_ = 	snop  }
0x3b: {  	_ = 	snop  }
0x3c: {  	p2 =	seq.s32 s10, $0x1;
	s10 =	sld [smem:$0x3FB6]  }
0x3d: {  	_ =	shalt  }
0x3e: {  	_ =	shalt  }
0x3f: {  	_ =	shalt  }
0x40: {  	_ =	shalt  }
0x41: {  	_ =	shalt  }
0x42: {  	_ =	shalt  }
0x43: {  	_ =	shalt  }
0x44: {  	_ =	shalt  }
0x45: {  	_ =	shalt  }
0x46: {  	_ =	shalt  }
0x47: {  	_ =	shalt  }
0x48: {  	_ =	shalt  }
0x49: {  	_ =	shalt  }
0x4a: {  	_ =	shalt  }
0x4b: {  	_ =	shalt  }
0x4c: {  	_ =	shalt  }
0x4d: {  	_ =	shalt  }
0x4e: {  	_ =	shalt  }
0x4f: {  	_ =	shalt  }
0x50: {  	_ =	shalt  }
0x51: {  	_ =	shalt  }
0x52: {  	_ =	shalt  }
0x53: {  	_ =	shalt  }
0x54: {  	_ =	shalt  }
0x55: {  	_ =	shalt  }
0x56: {  	_ =	shalt  }
0x57: {  	_ =	shalt  }
0x58: {  	_ =	shalt  }
0x59: {  	_ =	shalt  }
0x5a: {  	_ =	shalt  }
0x5b: {  	_ =	shalt  }
0x5c: {  	_ =	shalt  }
0x5d: {  	_ =	shalt  }
0x5e: {  	_ =	shalt  }
0x5f: {  	_ =	shalt  }
0x60: {  	_ =	shalt  }
0x61: {  	_ =	shalt  }
0x62: {  	_ =	shalt  }
0x63: {  	_ =	shalt  }
0x64: {  	_ =	shalt  }
0x65: {  	_ =	shalt  }
0x66: {  	_ =	shalt  }
0x67: {  	_ =	shalt  }
0x68: {  	_ =	shalt  }
0x69: {  	_ =	shalt  }
0x6a: {  	_ =	shalt  }
0x6b: {  	_ =	shalt  }
0x6c: {  	_ =	shalt  }
0x6d: {  	_ =	shalt  }
0x6e: {  	_ =	shalt  }
0x6f: {  	_ =	shalt  }
0x70: {  	_ =	shalt  }
0x71: {  	_ =	shalt  }
0x72: {  	_ =	shalt  }
0x73: {  	_ =	shalt  }
0x74: {  	_ =	shalt  }
0x75: {  	_ =	shalt  }
0x76: {  	_ =	shalt  }
0x77: {  	_ =	shalt  }
0x78: {  	_ =	shalt  }
0x79: {  	_ =	shalt  }
0x7a: {  	_ =	shalt  }
0x7b: {  	_ =	shalt  }
0x7c: {  	_ =	shalt  }
0x7d: {  	_ =	shalt  }
0x7e: {  	_ =	shalt  }
0x7f: {  	_ =	shalt  }
0x80: {  	_ =	shalt  }
0x81: {  	_ =	shalt  }
0x82: {  	_ =	shalt  }
0x83: {  	_ =	shalt  }
0x84: {  	_ =	shalt  }
0x85: {  	_ =	shalt  }
0x86: {  	_ =	shalt  }
0x87: {  	_ =	shalt  }
.Lfunc_end0:
.L_simem_size_0:
called_computation.1_lowered:
.L_overlay_start_0:
0x88: {  	s2 =	sld [smem:$0x3FD9]  }
0x89: {  	s3 =	sld [smem:$0x3FFE];
	_ =	sdelay $0x1  }
0x8a: {  	s1 =	srdreg.scid  }
0x8b: {  	s0 =	sand.u32 $0x1, s1  }
0x8c: {  	s17 =	sshll.u32 s0, $0xA;
	s2 =	sadd.s32 s3, s2  }
0x8d: {  	s2 =	sadd.s32 s2, s17  }
0x8e: {  	[smem:$0x3FC2] =	sst s2  }
0x8f: {  	_ = 	snop  }
0x90: {  	s2 =	sld [smem:$0x3FC4]  }
0x91: {  	s18 =	sld [smem:$0x3FD0];
	(tm) =	ssettm $0x1  }
0x92: {  	s4 =	sld [smem:$0x3FFB];
	_ =	sdelay $0x3  }
0x93: {  	_ =	strace s4  }
0x94: {  	s4 =	sld [smem:$0x3FFC];
	_ =	sdelay $0x3  }
0x95: {  	_ =	strace s4  }
0x96: {  	s4 =	sld [smem:$0x3FFD];
	_ =	sdelay $0x3  }
0x97: {  	_ =	strace s4  }
0x98: {  	_ =	strace $0x8FFFFFFF  }
0x99: {  	s19 =	sld [smem:$0x3FDB];
	_ =	sdelay $0x1  }
0x9a: {  	s5 =	simm.s32 $_scs_section_size  }
0x9b: {  	s6 =	simm.s32 $_size__tile_overlayer_lowered;
	s7 =	simm.s32 $_tile_overlayer_lowered  }
0x9c: {  	s22 =	simm.s32 $0x1BFF;
	s21 =	sshll.u32 s7, $0x1;
	s4 =	sadd.s32 s5, s19  }
0x9d: {  	s8 =	simm.s32 $0x0;
	s20 =	sshll.u32 s6, $0x1;
	s6 =	sadd.s32 s21, s4  }
0x9e: {  	[timem:s8], [sflag:s22] =	dma.local [hbm:s6], s20  }
0x9f: {  	_ =	swait.ge [sflag:s22], s20  }
0xa0: {  	s5 =	ssub.s32 $0x0, s20;
	[sflag:s22] =	ssyncset.done $0x0  }
0xa1: {  	[sflag:s22] =	ssyncadd.s32 s5;
	_ =	sdelay $0x1  }
0xa2: {  	s23 =	simm.s32 $0x1B8B  }
0xa3: {  	_ =	swait.ge [sflag:s23], $0x1  }
0xa4: {  	[sflag:s23] =	ssyncset.done $0x0  }
0xa5: {  	s25 =	simm.s32 $0x1B8E;
	s24 =	sld [smem:$0x3FFE];
	[sflag:s23] =	ssyncadd.s32 $0xFFFFFFFF  }
0xa6: {  	s26 =	simm.s32 $execute0_lowered;
	[smem:$0x3FD2] =	sst s25  }
0xa7: {  	s6 =	sshll.u32 s26, $0x1;
	_ =	strace $0x80000049;
	[dreg:$0x1] =	wrdreg $0xFFFFFFFF  }
0xa8: {  	s28 =	simm.s32 $_size_execute0_lowered;
	s4 =	sadd.s32 s4, s6;
	[dreg:$0x0] =	wrdreg $0x0  }
0xa9: {  	s6 =	sshll.u32 s28, $0x1;
	[dreg:$0x2] =	wrdreg s4  }
0xaa: {  	[dreg:$0x3] =	wrdreg s6  }
0xab: {  	[dreg:$0x4] =	wrdreg $0xC0  }
0xac: {  	_ =	task [dreg:s8], $0x5FFFF  }
0xad: {  	[dreg:$0x1] =	wrdreg $0xFFFFFFFF  }
0xae: {  	[dreg:$0x0] =	wrdreg $0x60  }
0xaf: {  	[dreg:$0x2] =	wrdreg s24  }
0xb0: {  	[dreg:$0x3] =	wrdreg s2  }
0xb1: {  	[dreg:$0x4] =	wrdreg s18  }
0xb2: {  	[dreg:$0x5] =	wrdreg $0x0  }
0xb3: {  	[dreg:$0x6] =	wrdreg $0x9  }
0xb4: {  	_ =	task.clear_ibuf [dreg:s8], $0x7FFFF;
	_ =	strace $0x90000049  }
0xb5: {  	s29 =	simm.s32 $0x9;
	_ =	strace $0x8000004B  }
0xb6: {  	_ =	swait.ge [sflag:s29], $0x1  }
0xb7: {  	[sflag:s29] =	ssyncadd.s32 $0xFFFFFFFF  }
0xb8: {  	_ =	strace $0x9000004B  }
0xb9: {  	_ =	sfence  }
0xba: {  	s30 =	sld [smem:$0x0];
	_ =	sdelay $0x2  }
0xbb: {  	s31 =	sshll.u32 s1, $0xD;
	s1 =	sshrl.u32 s1, $0x2  }
0xbc: {  	s3 =	sand.u32 $0x4000, s31;
	s1 =	sadd.s32 s1, s30  }
0xbd: {  	s0 =	sor.u32 s3, s0;
	s1 =	sshll.u32 s1, $0x11  }
0xbe: {  	s0 =	sor.u32 s1, s0  }
0xbf: {  	s0 =	sadd.s32 $0x8F2B, s0  }
0xc0: {  	[sflag:s0] =	ssyncadd.remote.s32 $0x1  }
0xc1: {  	_ =	sfence.sel $0xFFFF  }
0xc2: {  	[dreg:$0x0] =	wrdreg $0xFFFFFFFF;
	(pc) =	sbr.abs _section_cstart, $3  }
0xc3: {  	[dreg:$0x1] =	wrdreg $0xFFFFFFFF  }
0xc4: {  	_ =	task.clear_ibuf [dreg:s8], $0x2FFFF;
	_ =	strace $0x9FFFFFFF  }
0xc5: {  	(tm) =	ssettm $0x7FFFFFFF  }
tec
execute0_lowered:
.L_overlay_start_1:
0x0: {  	(tag) =	ssettag $0x1  }
0x1: {  	s0 =	rddreg [dreg:$0x0]  }
0x2: {  	s1 =	rddreg [dreg:$0x1]  }
0x3: {  	s4 =	rddreg [dreg:$0x3];
	s2 =	srdreg.scid;
	s5 =	simm.s32 $0x0  }
0x4: {  	s11 =	stileid.u32;
	s28 =	simm.s32 $0x19000;
	s30 =	simm.s32 $0x1  }
0x5: {  	s31 =	simm.s32 $0x1B000;
	s29 =	simm.s32 $0x0;
	s2 =	sand.u32 $0x1, s2  }
0x6: {  	[smem:$0x7FF] =	sst s5;
	s3 =	sshll.u32 s11, $0xF;
	s6 =	sadd.s32 $0xE1200, s0  }
0x7: {  	s24 =	sshll.u32 s11, $0x10;
	s7 =	sshll.u32 s2, $0x13;
	_ =	strace $0x8000004A  }
0x8: {  	s9 =	ssub.s32 $0x2, s2;
	s2 =	sshll.u32 s2, $0x14;
	s8 =	sor.u32 s3, s7  }
0x9: {  	s7 =	sadd.s32 $0xA1200, s0;
	s10 =	sshrl.u32 s9, $0x1;
	s14 =	sor.u32 s24, s2  }
0xa: {  	s24 =	simm.s32 $0x3;
	s8 =	sshrl.u32 s8, $0x3;
	s13 =	ssub.s32 s9, s10  }
0xb: {  	s2 =	sshrl.u32 s14, $0x3;
	s0 =	sadd.s32 s8, s0;
	s8 =	sadd.s32 s3, s4  }
0xc: {  	s20 =	sor.u32 $0x2000, s14;
	s17 =	sadd.s32 s6, s2;
	s21 =	sadd.s32 $0x1000, s8  }
0xd: {  	s18 =	sadd.s32 s7, s2;
	s22 =	sadd.s32 $0x2000, s8;
	[dreg:$0x5] =	wrdreg s21  }
0xe: {  	s19 =	sadd.s32 s1, s2;
	s23 =	sadd.s32 $0x3000, s8;
	[dreg:$0x6] =	wrdreg s22  }
0xf: {  	s2 =	simm.s32 $0x1D000;
	s25 =	sadd.s32 $0x4000, s8;
	[dreg:$0x7] =	wrdreg s23  }
0x10: {  	s3 =	simm.s32 $0x1000;
	s26 =	sadd.s32 $0x5000, s8;
	[dreg:$0x8] =	wrdreg s25  }
0x11: {  	s15 =	sadd.s32 $0x6000, s8;
	s16 =	sadd.s32 $0x7000, s8;
	[dreg:$0x9] =	wrdreg s26  }
0x12: {  	s21 =	sadd.s32 $0x1200, s0;
	s22 =	smax.u32 s13, $0x1;
	s23 =	simm.s32 $0x1E000  }
0x13: {  	v0 =	vimm.f32 $0.0e+00;
	s25 =	simm.s32 $0x8000;
	s0 =	simm.s32 $0x1C000;
	s26 =	simm.s32 $0x2  }
.LBB2_1:
0x14: {  	s9 =	simm.s32 $0x40;
	s10 =	simm.s32 $0x0  }
.LBB2_2:
0x15: {  	p0 =	sne.s32 s9, $0x3FC0;
	[tilespmem:s10+$0x1E000] =	vst v0;
	s10 =	smov.u32 s9;
	s9 =	sadd.s32 $0x40, s9  }
.Ltmp0:
0x16: {  	(pc) =	sbr.rel @p0 .LBB2_2-.Ltmp0, $2  }
0x17: {  	_ =	sdelay $0x2  }
0x18: {  	s10 =	sshra.s32 s10, $0x2  }
0x19: {  	[tilespmem:s10+$0x1E000] =	vst v0  }
0x1a: {  	[spmem:s8] =	stream.linear.scatter [tilespmem:s23], [sflag:$0x3], $0x1000, $0x38;
	[tilespmem:$0x1F000] =	vst v63  }
0x1b: {  	_ =	swait.ge [sflag:s24], $0x1000  }
0x1c: {  	[sflag:s24] =	ssyncset.done $0x0  }
0x1d: {  	s9 =	rddreg [dreg:$0x5];
	[sflag:s24] =	ssyncadd.s32 $0xFFFFF000  }
0x1e: {  	[spmem:s9] =	stream.linear.scatter [tilespmem:s23], [sflag:$0x3], $0x1000, $0x38;
	[tilespmem:$0x1F000] =	vst v63  }
0x1f: {  	_ =	swait.ge [sflag:s24], $0x1000  }
0x20: {  	[sflag:s24] =	ssyncset.done $0x0  }
0x21: {  	s11 =	rddreg [dreg:$0x6];
	[sflag:s24] =	ssyncadd.s32 $0xFFFFF000  }
0x22: {  	[spmem:s11] =	stream.linear.scatter [tilespmem:s23], [sflag:$0x3], $0x1000, $0x38;
	[tilespmem:$0x1F000] =	vst v63  }
0x23: {  	_ =	swait.ge [sflag:s24], $0x1000  }
0x24: {  	[sflag:s24] =	ssyncset.done $0x0  }
0x25: {  	s12 =	rddreg [dreg:$0x7];
	[sflag:s24] =	ssyncadd.s32 $0xFFFFF000  }
0x26: {  	[spmem:s12] =	stream.linear.scatter [tilespmem:s23], [sflag:$0x3], $0x1000, $0x38;
	[tilespmem:$0x1F000] =	vst v63  }
0x27: {  	_ =	swait.ge [sflag:s24], $0x1000  }
0x28: {  	[sflag:s24] =	ssyncset.done $0x0  }
0x29: {  	s13 =	rddreg [dreg:$0x8];
	[sflag:s24] =	ssyncadd.s32 $0xFFFFF000  }
0x2a: {  	[spmem:s13] =	stream.linear.scatter [tilespmem:s23], [sflag:$0x3], $0x1000, $0x38;
	[tilespmem:$0x1F000] =	vst v63  }
0x2b: {  	_ =	swait.ge [sflag:s24], $0x1000  }
0x2c: {  	[sflag:s24] =	ssyncset.done $0x0  }
0x2d: {  	s10 =	rddreg [dreg:$0x9];
	[sflag:s24] =	ssyncadd.s32 $0xFFFFF000  }
0x2e: {  	[spmem:s10] =	stream.linear.scatter [tilespmem:s23], [sflag:$0x3], $0x1000, $0x38;
	[tilespmem:$0x1F000] =	vst v63  }
0x2f: {  	_ =	swait.ge [sflag:s24], $0x1000  }
0x30: {  	[sflag:s24] =	ssyncset.done $0x0  }
0x31: {  	[sflag:s24] =	ssyncadd.s32 $0xFFFFF000  }
0x32: {  	[spmem:s15] =	stream.linear.scatter [tilespmem:s23], [sflag:$0x3], $0x1000, $0x38;
	[tilespmem:$0x1F000] =	vst v63  }
0x33: {  	_ =	swait.ge [sflag:s24], $0x1000  }
0x34: {  	[sflag:s24] =	ssyncset.done $0x0  }
0x35: {  	[sflag:s24] =	ssyncadd.s32 $0xFFFFF000  }
0x36: {  	[spmem:s16] =	stream.linear.scatter [tilespmem:s23], [sflag:$0x3], $0x1000, $0x38;
	[tilespmem:$0x1F000] =	vst v63  }
0x37: {  	_ =	swait.ge [sflag:s24], $0x1000  }
0x38: {  	[sflag:s24] =	ssyncset.done $0x0  }
0x39: {  	[sflag:s24] =	ssyncadd.s32 $0xFFFFF000  }
0x3a: {  	s11 =	rddreg [dreg:$0x2]  }
0x3b: {  	[tilespmem:s25], [sflag:$0x3] =	stream.linear.gather [hbm4b:s11+s29], $0x10000, $0x38;
	[tilespmem:$0x1F000] =	vst v63  }
0x3c: {  	_ =	swait.ge [sflag:s24], $0x10000  }
0x3d: {  	[sflag:s24] =	ssyncset.done $0x0  }
0x3e: {  	[sflag:s24] =	ssyncadd.s32 $0xFFFF0000  }
0x3f: {  	s12 =	simm.s32 $0x18000;
	[bflag:$0x0] =	sbarrier.arrive $0xFFFF  }
0x40: {  	[tilespmem:s12], [sflag:$0x1] =	stream.linear.gather [hbm4b:s17+s29], $0x1000, $0x38;
	[tilespmem:$0x1F000] =	vst v63  }
0x41: {  	_ = 	snop  }
0x42: {  	[tilespmem:s28], [sflag:$0x1] =	stream.linear.gather [hbm4b:s18+s29], $0x1000, $0x38;
	[tilespmem:$0x1F000] =	vst v63  }
0x43: {  	s9 =	simm.s32 $0x0;
	s13 =	simm.s32 $0x1A000  }
0x44: {  	[tilespmem:s13], [sflag:$0x1] =	stream.linear.gather [hbm4b:s19+s29], $0x1000, $0x38;
	[tilespmem:$0x1F000] =	vst v63  }
.LBB2_4:
0x45: {  	_ =	swait.ge [sflag:s30], $0x1000  }
0x46: {  	[sflag:s30] =	ssyncset.done $0x0  }
0x47: {  	[sflag:s30] =	ssyncadd.s32 $0xFFFFF000  }
0x48: {  	_ =	swait.ge [sflag:s30], $0x1000  }
0x49: {  	s10 =	sshll.u32 s9, $0xD;
	[sflag:s30] =	ssyncset.done $0x0  }
0x4a: {  	s11 =	sor.u32 s10, s14;
	[sflag:s30] =	ssyncadd.s32 $0xFFFFF000  }
0x4b: {  	s11 =	sshrl.u32 s11, $0x3;
	_ =	swait.ge [sflag:s30], $0x1000  }
0x4c: {  	s11 =	sor.u32 $0x200, s11;
	[sflag:s30] =	ssyncset.done $0x0  }
0x4d: {  	s12 =	sadd.s32 s6, s11;
	[sflag:s30] =	ssyncadd.s32 $0xFFFFF000  }
0x4e: {  	[tilespmem:s31], [sflag:$0x2] =	stream.linear.gather [hbm4b:s12+s29], $0x1000, $0x38;
	[tilespmem:$0x1F000] =	vst v63  }
0x4f: {  	s13 =	sadd.s32 s7, s11  }
0x50: {  	[tilespmem:s0], [sflag:$0x2] =	stream.linear.gather [hbm4b:s13+s29], $0x1000, $0x38;
	[tilespmem:$0x1F000] =	vst v63  }
0x51: {  	s11 =	sadd.s32 s1, s11  }
0x52: {  	[tilespmem:s2], [sflag:$0x2] =	stream.linear.gather [hbm4b:s11+s29], $0x1000, $0x38;
	[tilespmem:$0x1F000] =	vst v63  }
0x53: {  	s11 =	simm.s32 $0x0  }
0x54: {  	v2 =	vld [tilespmem:s11+$0x18000];
	_ =	sdelay $0x6  }
0x55: {  	v1 =	vld [tilespmem:s11+$0x1A000]  }
0x56: {  	s12 =	simm.s32 $0x10;
	s13 =	simm.s32 $0x80;
	v2 =	vld.idx.msk [tilespmem:v2+s25+$0x0], $0xffff  }
.LBB2_5:
0x57: {  	p0 =	sne.s32 s13, $0x3FC0;
	v3 =	vld [tilespmem:s12+$0x18000];
	_ =	sdelay $0x3  }
.Ltmp1:
0x58: {  	(pc) =	sbr.rel @p0 .LBB2_5-.Ltmp1, $3  }
0x59: {  	v2 =	vmul.f32 v1, v2;
	_ =	sdelay $0x1  }
0x5a: {  	v1 =	vld [tilespmem:s12+$0x1A000];
	[tilespmem:s11+$0x1E000] =	vst v2;
	s11 =	smov.u32 s12  }
0x5b: {  	s12 =	sshra.s32 s13, $0x2;
	s13 =	sadd.s32 $0x40, s13;
	v2 =	vld.idx.msk [tilespmem:v3+s25+$0x0], $0xffff  }
0x5c: {  	v3 =	vld [tilespmem:s12+$0x18000];
	_ =	sdelay $0x4  }
0x5d: {  	v1 =	vmul.f32 v1, v2;
	_ =	sdelay $0x1  }
0x5e: {  	v2 =	vld [tilespmem:s12+$0x1A000];
	[tilespmem:s11+$0x1E000] =	vst v1  }
0x5f: {  	v1 =	vld.idx.msk [tilespmem:v3+s25+$0x0], $0xffff;
	_ =	sdelay $0x4  }
0x60: {  	v1 =	vmul.f32 v2, v1;
	_ =	sdelay $0x1  }
0x61: {  	[tilespmem:s12+$0x1E000] =	vst v1  }
0x62: {  	[spmem:s4] =	stream.indirect.scatter.add.f32 [tilespmem:s23], [sflag:$0x3], $0x1, s28, s3, $0xb8;
	[tilespmem:$0x1F000] =	vst v63  }
0x63: {  	_ =	swait.ge [sflag:s24], $0x1000  }
0x64: {  	[sflag:s24] =	ssyncset.done $0x0  }
0x65: {  	[sflag:s24] =	ssyncadd.s32 $0xFFFFF000  }
0x66: {  	_ =	swait.ge [sflag:s26], $0x1000  }
0x67: {  	[sflag:s26] =	ssyncset.done $0x0  }
0x68: {  	[sflag:s26] =	ssyncadd.s32 $0xFFFFF000  }
0x69: {  	_ =	swait.ge [sflag:s26], $0x1000  }
0x6a: {  	[sflag:s26] =	ssyncset.done $0x0  }
0x6b: {  	p0 =	seq.s32 s9, $0x7;
	[sflag:s26] =	ssyncadd.s32 $0xFFFFF000  }
0x6c: {  	s10 =	sadd.s32 @!p0 s10, s20;
	_ =	swait.ge [sflag:s26], $0x1000  }
0x6d: {  	s13 =	simm.s32 @!p0 $0x18000;
	s10 =	sshrl.u32 @!p0 s10, $0x3;
	[sflag:s26] =	ssyncset.done $0x0  }
0x6e: {  	s11 =	sadd.s32 @!p0 s6, s10;
	s12 =	simm.s32 @!p0 $0x0;
	[sflag:s26] =	ssyncadd.s32 $0xFFFFF000  }
0x6f: {  	[tilespmem:s13], [sflag:$0x1] =	stream.linear.gather @!p0 [hbm4b:s11+s12], $0x1000, $0x38;
	[tilespmem:$0x1F000] =	vst v63  }
0x70: {  	s11 =	sadd.s32 @!p0 s7, s10;
	s13 =	simm.s32 @!p0 $0x19000  }
0x71: {  	[tilespmem:s13], [sflag:$0x1] =	stream.linear.gather @!p0 [hbm4b:s11+s12], $0x1000, $0x38;
	[tilespmem:$0x1F000] =	vst v63  }
0x72: {  	s10 =	sadd.s32 @!p0 s1, s10;
	s11 =	simm.s32 @!p0 $0x1A000  }
0x73: {  	[tilespmem:s11], [sflag:$0x1] =	stream.linear.gather @!p0 [hbm4b:s10+s12], $0x1000, $0x38;
	[tilespmem:$0x1F000] =	vst v63  }
0x74: {  	s10 =	simm.s32 $0x0  }
0x75: {  	v2 =	vld [tilespmem:s10+$0x1B000];
	_ =	sdelay $0x6  }
0x76: {  	v1 =	vld [tilespmem:s10+$0x1D000]  }
0x77: {  	s11 =	simm.s32 $0x10;
	s12 =	simm.s32 $0x80;
	v2 =	vld.idx.msk [tilespmem:v2+s25+$0x0], $0xffff  }
.LBB2_7:
0x78: {  	p0 =	sne.s32 s12, $0x3FC0;
	v3 =	vld [tilespmem:s11+$0x1B000];
	_ =	sdelay $0x3  }
.Ltmp2:
0x79: {  	(pc) =	sbr.rel @p0 .LBB2_7-.Ltmp2, $3  }
0x7a: {  	v2 =	vmul.f32 v1, v2;
	_ =	sdelay $0x1  }
0x7b: {  	v1 =	vld [tilespmem:s11+$0x1D000];
	[tilespmem:s10+$0x1E000] =	vst v2;
	s10 =	smov.u32 s11  }
0x7c: {  	s11 =	sshra.s32 s12, $0x2;
	s12 =	sadd.s32 $0x40, s12;
	v2 =	vld.idx.msk [tilespmem:v3+s25+$0x0], $0xffff  }
0x7d: {  	v3 =	vld [tilespmem:s11+$0x1B000];
	_ =	sdelay $0x4  }
0x7e: {  	v1 =	vmul.f32 v1, v2;
	_ =	sdelay $0x1  }
0x7f: {  	v2 =	vld [tilespmem:s11+$0x1D000];
	[tilespmem:s10+$0x1E000] =	vst v1  }
0x80: {  	v1 =	vld.idx.msk [tilespmem:v3+s25+$0x0], $0xffff;
	_ =	sdelay $0x4  }
0x81: {  	s9 =	sadd.s32 $0x1, s9;
	v1 =	vmul.f32 v2, v1  }
0x82: {  	p0 =	sne.s32 s9, $0x8  }
.Ltmp3:
0x83: {  	[tilespmem:s11+$0x1E000] =	vst v1;
	(pc) =	sbr.rel @p0 .LBB2_4-.Ltmp3, $4  }
0x84: {  	[spmem:s4] =	stream.indirect.scatter.add.f32 [tilespmem:s23], [sflag:$0x3], $0x1, s0, s3, $0xb8;
	[tilespmem:$0x1F000] =	vst v63  }
0x85: {  	_ =	swait.ge [sflag:s24], $0x1000  }
0x86: {  	[sflag:s24] =	ssyncset.done $0x0  }
0x87: {  	[sflag:s24] =	ssyncadd.s32 $0xFFFFF000  }
0x88: {  	s9 =	stileid.u32;
	s5 =	sadd.s32 $0x1, s5  }
0x89: {  	[bflag:$0x0] =	sbarrier.arrive $0xFFFF;
	s9 =	sshll.u32 s9, $0x6;
	p0 =	sne.s32 s5, s22  }
.Ltmp4:
0x8a: {  	s10 =	sshrl.u32 s8, $0x3;
	s9 =	sor.u32 $0x1C03, s9;
	(pc) =	sbr.rel @p0 .LBB2_1-.Ltmp4, $4  }
0x8b: {  	[hbm:s21], [sflag:s9] =	dma.local [spmem:s10], $0x1000  }
0x8c: {  	_ =	swait.ge [sflag:s24], $0x1000  }
0x8d: {  	[sflag:s24] =	ssyncset.done $0x0  }
0x8e: {  	[sflag:s24] =	ssyncadd.s32 $0xFFFFF000  }
0x8f: {  	_ =	sfence.sel $0x180000  }
0x90: {  	[bflag:$0x0] =	sbarrier.arrive $0xFFFF  }
0x91: {  	_ =	strace $0x9000004A  }
0x92: {  	s0 =	stileid.u32;
	[bflag:$0x2] =	sbarrier.arrive $0xFFFF  }
0x93: {  	p0 =	sne.s32 s0, $0x0;
	s0 =	rddreg [dreg:$0x4]  }
0x94: {  	s0 =	sadd.s32 @!p0 $0x100000, s0  }
0x95: {  	[sflag:s0] =	ssyncadd.tile.s32 @!p0 $0x1;
	_ =	shalt  }
.Lfunc_end2:
_tile_overlayer_lowered:
.L_overlay_start_2:
0x96: {  	(tag) =	ssettag $0x2  }
0x97: {  	s0 =	rddreg [dreg:$0x0];
	s2 =	stileid.u32  }
0x98: {  	s1 =	rddreg [dreg:$0x1];
	p0 =	sne.s32 s2, $0x0  }
0x99: {  	s3 =	rddreg [dreg:$0x2];
	[bflag:$0x3] =	sbarrier.arrive $0xFFFF;
	s2 =	simm.s32 @!p0 $0x1C03  }
0x9a: {  	[timem:s3], [sflag:s2] =	dma.local @!p0 [hbm:s0], s1  }
0x9b: {  	s0 =	simm.s32 @!p0 $0x3  }
0x9c: {  	_ =	swait.ge @!p0 [sflag:s0], s1  }
0x9d: {  	s1 =	ssub.s32 @!p0 $0x0, s1;
	[sflag:s0] =	ssyncset.done @!p0 $0x0  }
0x9e: {  	[sflag:s0] =	ssyncadd.s32 @!p0 s1  }
0x9f: {  	[bflag:$0x3] =	sbarrier.arrive $0xFFFF  }
0xa0: {  	_ =	shalt  }

</sc_bundles>
